<compile_context>
chip_gen: v7x
topology: tpu7x:2x2x1
jax: 0.10.2.dev20260603
libtpu: 0.0.44.dev20260713+nightly
codegen_flags: <defaults>
</compile_context>

<pallas_src>
import functools

import jax
import jax.numpy as jnp
from jax import lax
from jax.experimental import pallas as pl
from jax.experimental.pallas import tpu as pltpu
from jax.experimental.pallas import tpu_sc as plsc


def _argmin_body(zsq_ref, esq_ref, z_ref, e_ref, out_ref, best_val):
    n = pl.program_id(0)
    m = pl.program_id(1)
    bn = e_ref.shape[0]
    bm = z_ref.shape[2]
    zt = z_ref[0]
    mm = lax.dot_general(e_ref[...], zt, (((1,), (0,)), ((), ())),
                         preferred_element_type=jnp.float32)
    dist = (esq_ref[...] + zsq_ref[...]) - mm
    rows = lax.broadcasted_iota(jnp.int32, (bn, bm), 0) + n * bn
    vmin = jnp.min(dist, axis=0, keepdims=True)
    imin = jnp.min(jnp.where(dist == vmin, rows, jnp.int32(2**30)),
                   axis=0, keepdims=True)
    vmin_r = vmin.astype(jnp.bfloat16).astype(jnp.float32)

    @pl.when(n == 0)
    def _init():
        best_val[pl.ds(m, 1), :] = vmin_r
        out_ref[pl.ds(m, 1), :] = imin

    @pl.when(n > 0)
    def _update():
        bv = best_val[pl.ds(m, 1), :]
        bi = out_ref[pl.ds(m, 1), :]
        better = vmin < bv
        newv = jnp.where(better, vmin, bv)
        best_val[pl.ds(m, 1), :] = newv.astype(jnp.bfloat16).astype(jnp.float32)
        out_ref[pl.ds(m, 1), :] = jnp.where(better, imin, bi)


def _fused_argmin(z3, embedding, zsq_row, esq_col, bm, bn):
    b, d, hw = z3.shape
    m_total = b * hw
    k_pad = embedding.shape[0]
    mt = m_total // bm
    nt = k_pad // bn
    mpb = hw // bm
    out2d = pl.pallas_call(
        _argmin_body,
        grid=(nt, mt),
        in_specs=[
            pl.BlockSpec((1, bm), lambda n, m: (0, m)),
            pl.BlockSpec((bn, 1), lambda n, m: (n, 0)),
            pl.BlockSpec((1, d, bm),
                         lambda n, m: (m // mpb, 0, m % mpb)),
            pl.BlockSpec((bn, d), lambda n, m: (n, 0)),
        ],
        out_specs=pl.BlockSpec((mt, bm), lambda n, m: (0, 0)),
        out_shape=jax.ShapeDtypeStruct((mt, bm), jnp.int32),
        scratch_shapes=[
            pltpu.VMEM((mt, bm), jnp.float32),
        ],
        compiler_params=pltpu.CompilerParams(
            dimension_semantics=("arbitrary", "arbitrary")),
    )(zsq_row, esq_col, z3, embedding)
    return out2d.reshape(m_total)


def _sc_gather_counts(embedding, idx):
    k_total, d = embedding.shape
    m_total = idx.shape[0]
    info = plsc.get_sparse_core_info()
    nc, ns = info.num_cores, info.num_subcores
    nw = nc * ns
    rows_per_w = m_total // nw
    chunk = 128
    nchunk = rows_per_w // chunk
    hrows = k_total // ns

    mesh = plsc.VectorSubcoreMesh(core_axis_name="c", subcore_axis_name="s")

    @functools.partial(
        pl.kernel, mesh=mesh,
        out_type=jax.ShapeDtypeStruct((m_total, d), jnp.float32),
        scratch_types=[
            pltpu.VMEM((chunk,), jnp.int32),
            pltpu.VMEM((chunk,), jnp.int32),
            pltpu.VMEM((chunk,), jnp.int32),
            pltpu.VMEM((chunk,), jnp.int32),
            pltpu.VMEM((chunk, d), jnp.float32),
            pltpu.VMEM((chunk, d), jnp.float32),
            pltpu.SemaphoreType.DMA,
            pltpu.SemaphoreType.DMA,
        ],
    )
    def gather_kernel(emb_hbm, idx_hbm, out_hbm,
                      idx_0, idx_1, idx_2, idx_3, rows_a, rows_b,
                      sem_a, sem_b):
        idx_v = (idx_0, idx_1, idx_2, idx_3)
        c = lax.axis_index("c")
        s = lax.axis_index("s")
        wid = s * nc + c
        base = wid * rows_per_w

        for cc in range(nchunk):
            pltpu.sync_copy(idx_hbm.at[pl.ds(base + cc * chunk, chunk)],
                            idx_v[cc])
        bufs = (rows_a, rows_b)
        sems = (sem_a, sem_b)
        cps = [None, None]
        cps[0] = pltpu.async_copy(emb_hbm.at[idx_v[0]], bufs[0], sems[0])
        for cc in range(nchunk):
            if cc + 1 < nchunk:
                cps[(cc + 1) % 2] = pltpu.async_copy(
                    emb_hbm.at[idx_v[cc + 1]], bufs[(cc + 1) % 2],
                    sems[(cc + 1) % 2])
            cps[cc % 2].wait()
            pltpu.sync_copy(bufs[cc % 2],
                            out_hbm.at[pl.ds(base + cc * chunk, chunk)])

    return gather_kernel(embedding, idx)


def kernel(z, embedding):
    b, d, h, w = z.shape
    k_total = embedding.shape[0]
    zsq = jnp.sum(jnp.transpose(z, (0, 2, 3, 1)) ** 2, axis=3)
    esq = jnp.sum(embedding ** 2, axis=1)

    bn = 2736
    k_pad = 3 * bn
    emb_pad = jnp.concatenate(
        [embedding.astype(jnp.bfloat16),
         jnp.zeros((k_pad - k_total, d), jnp.bfloat16)])
    esq_pad = jnp.concatenate(
        [esq * 0.5, jnp.full((k_pad - k_total,), 1e30, esq.dtype)])
    encoding_indices = _fused_argmin(z.astype(jnp.bfloat16).reshape(b, d, h * w),
                                     emb_pad,
                                     (zsq * 0.5).reshape(1, -1),
                                     esq_pad[:, None],
                                     bm=1024, bn=bn)

    quantized_flat = _sc_gather_counts(embedding, encoding_indices)
    counts = jnp.bincount(encoding_indices, length=k_total).astype(jnp.float32)

    quantized = jnp.transpose(quantized_flat.reshape(b, h, w, d), (0, 3, 1, 2))
    z_q = z + (quantized - z)
    loss = jnp.mean((z_q - z) ** 2)
    indices = encoding_indices.reshape(b, h, w)
    avg_probs = counts / (b * h * w)
    perplexity = jnp.exp(-jnp.sum(avg_probs * jnp.log(avg_probs + 1e-10)))
    used_codes = (counts > 0).astype(jnp.float32)
    return (z_q, loss, indices, perplexity, used_codes)

# --- scband reference (transcript-rebuilt; emitter-appended) ---
"""Pipeline reference for scband-vector-quantizer-ema-47382079209956 (READ-ONLY COPY).

The authoritative reference and input builder live on the scoring server;
editing this copy changes nothing except your own understanding.
"""

import jax, jax.numpy as jnp
import numpy as np

K = 8192
D = 256

def setup_inputs(seed: int = 0) -> dict:
    key = jax.random.key(seed)
    k1, k2 = jax.random.split(key)
    z = jax.random.normal(k1, (16, D, 32, 32), dtype=jnp.float32)
    embedding = jax.random.normal(k2, (K, D), dtype=jnp.float32) * 0.1
    return {"z": z, "embedding": embedding}

def reference(z, embedding):
    B, Dd, H, W = z.shape
    z_perm = jnp.transpose(z, (0, 2, 3, 1))
    flat_z = z_perm.reshape(-1, Dd)
    distances = (jnp.sum(flat_z ** 2, axis=1, keepdims=True)
                 + jnp.sum(embedding ** 2, axis=1)
                 - 2.0 * jnp.matmul(flat_z, embedding.T))
    encoding_indices = jnp.argmin(distances, axis=1)
    quantized_flat = jnp.take(embedding, encoding_indices, axis=0)
    quantized = jnp.transpose(quantized_flat.reshape(B, H, W, Dd), (0, 3, 1, 2))
    z_q = z + jax.lax.stop_gradient(quantized - z)
    loss = jnp.mean((jax.lax.stop_gradient(z_q) - z) ** 2)
    indices = encoding_indices.reshape(B, H, W)
    counts = jnp.bincount(encoding_indices, length=K).astype(flat_z.dtype)
    avg_probs = counts / flat_z.shape[0]
    perplexity = jnp.exp(-jnp.sum(avg_probs * jnp.log(avg_probs + 1e-10)))
    used_codes = (counts > 0).astype(jnp.float32)
    return (z_q, loss, indices, perplexity, used_codes)

if __name__ == "__main__":
    import jax
    _d = setup_inputs()
    print(jax.jit(kernel)(*tuple(_d.values())))

</pallas_src>

<mosaic_0001>
#map = affine_map<(d0, d1) -> (0, 0)>
#map1 = affine_map<(d0, d1) -> (0)>
module attributes {stable_mosaic.version = 14 : i64} {
  func.func @gather_kernel(%arg0: i32, %arg1: i32, %arg2: memref<8192x256xf32, #tpu.memory_space<hbm>>, %arg3: memref<16384xi32, #tpu.memory_space<hbm>>, %arg4: memref<16384x256xf32, #tpu.memory_space<hbm>>, %arg5: memref<128xi32, #tpu.memory_space<vmem>>, %arg6: memref<128xi32, #tpu.memory_space<vmem>>, %arg7: memref<128xi32, #tpu.memory_space<vmem>>, %arg8: memref<128xi32, #tpu.memory_space<vmem>>, %arg9: memref<128x256xf32, #tpu.memory_space<vmem>>, %arg10: memref<128x256xf32, #tpu.memory_space<vmem>>, %arg11: memref<!tpu.dma_semaphore, #tpu.memory_space<semaphore_mem>>, %arg12: memref<!tpu.dma_semaphore, #tpu.memory_space<semaphore_mem>>) attributes {dimension_semantics = [#tpu.dimension_semantics<core_parallel>, #tpu.dimension_semantics<subcore_parallel>], iteration_bounds = array<i64: 2, 16>, scalar_prefetch = 0 : i64, scratch_operands = 8 : i64, tpu.core_type = #tpu.core_type<sc_vector_subcore>, window_params = [{transform_indices = #map}, {transform_indices = #map1}, {transform_indices = #map}]} {
    %mul3A = arith.constant 2 : i32
    %mul3A_0 = arith.muli %arg1, %mul3A : i32
    %add3A = arith.addi %mul3A_0, %arg0 : i32
    %mul3A_1 = arith.constant 512 : i32
    %mul3A_2 = arith.muli %add3A, %mul3A_1 : i32
    %add3A_3 = arith.constant 0 : i32
    %add3A_4 = arith.addi %mul3A_2, %add3A_3 : i32
    "tpu.region"() ({
      %run_scoped3A = tpu.sem_alloc : memref<!tpu.dma_semaphore, #tpu.memory_space<semaphore_mem>>
      %dma_start3A_41 = tpu.memref_slice %arg3[%add3A_4] : memref<16384xi32, #tpu.memory_space<hbm>> -> memref<128xi32, #tpu.memory_space<hbm>>
      %dma_start3A_42 = tpu.memref_slice %arg3[%add3A_4] : memref<16384xi32, #tpu.memory_space<hbm>> -> memref<128xi32, #tpu.memory_space<hbm>>
      tpu.enqueue_dma source(%dma_start3A_42 : memref<128xi32, #tpu.memory_space<hbm>>) target(%arg5 : memref<128xi32, #tpu.memory_space<vmem>>) target_semaphore(%run_scoped3A : memref<!tpu.dma_semaphore, #tpu.memory_space<semaphore_mem>>)
      %dma_wait3A_43 = tpu.memref_slice %arg3[%add3A_4] : memref<16384xi32, #tpu.memory_space<hbm>> -> memref<128xi32, #tpu.memory_space<hbm>>
      %dma_wait3A_44 = tpu.memref_slice %arg3[%add3A_4] : memref<16384xi32, #tpu.memory_space<hbm>> -> memref<128xi32, #tpu.memory_space<hbm>>
      tpu.wait_dma2 semaphore(%run_scoped3A : memref<!tpu.dma_semaphore, #tpu.memory_space<semaphore_mem>>) src(%dma_wait3A_44 : memref<128xi32, #tpu.memory_space<hbm>>) dst(%arg5 : memref<128xi32, #tpu.memory_space<vmem>>)
      tpu.yield
    }) : () -> ()
    %add3A_5 = arith.constant 128 : i32
    %add3A_6 = arith.addi %mul3A_2, %add3A_5 : i32
    "tpu.region"() ({
      %run_scoped3A = tpu.sem_alloc : memref<!tpu.dma_semaphore, #tpu.memory_space<semaphore_mem>>
      %dma_start3A_41 = tpu.memref_slice %arg3[%add3A_6] : memref<16384xi32, #tpu.memory_space<hbm>> -> memref<128xi32, #tpu.memory_space<hbm>>
      %dma_start3A_42 = tpu.memref_slice %arg3[%add3A_6] : memref<16384xi32, #tpu.memory_space<hbm>> -> memref<128xi32, #tpu.memory_space<hbm>>
      tpu.enqueue_dma source(%dma_start3A_42 : memref<128xi32, #tpu.memory_space<hbm>>) target(%arg6 : memref<128xi32, #tpu.memory_space<vmem>>) target_semaphore(%run_scoped3A : memref<!tpu.dma_semaphore, #tpu.memory_space<semaphore_mem>>)
      %dma_wait3A_43 = tpu.memref_slice %arg3[%add3A_6] : memref<16384xi32, #tpu.memory_space<hbm>> -> memref<128xi32, #tpu.memory_space<hbm>>
      %dma_wait3A_44 = tpu.memref_slice %arg3[%add3A_6] : memref<16384xi32, #tpu.memory_space<hbm>> -> memref<128xi32, #tpu.memory_space<hbm>>
      tpu.wait_dma2 semaphore(%run_scoped3A : memref<!tpu.dma_semaphore, #tpu.memory_space<semaphore_mem>>) src(%dma_wait3A_44 : memref<128xi32, #tpu.memory_space<hbm>>) dst(%arg6 : memref<128xi32, #tpu.memory_space<vmem>>)
      tpu.yield
    }) : () -> ()
    %add3A_7 = arith.constant 256 : i32
    %add3A_8 = arith.addi %mul3A_2, %add3A_7 : i32
    "tpu.region"() ({
      %run_scoped3A = tpu.sem_alloc : memref<!tpu.dma_semaphore, #tpu.memory_space<semaphore_mem>>
      %dma_start3A_41 = tpu.memref_slice %arg3[%add3A_8] : memref<16384xi32, #tpu.memory_space<hbm>> -> memref<128xi32, #tpu.memory_space<hbm>>
      %dma_start3A_42 = tpu.memref_slice %arg3[%add3A_8] : memref<16384xi32, #tpu.memory_space<hbm>> -> memref<128xi32, #tpu.memory_space<hbm>>
      tpu.enqueue_dma source(%dma_start3A_42 : memref<128xi32, #tpu.memory_space<hbm>>) target(%arg7 : memref<128xi32, #tpu.memory_space<vmem>>) target_semaphore(%run_scoped3A : memref<!tpu.dma_semaphore, #tpu.memory_space<semaphore_mem>>)
      %dma_wait3A_43 = tpu.memref_slice %arg3[%add3A_8] : memref<16384xi32, #tpu.memory_space<hbm>> -> memref<128xi32, #tpu.memory_space<hbm>>
      %dma_wait3A_44 = tpu.memref_slice %arg3[%add3A_8] : memref<16384xi32, #tpu.memory_space<hbm>> -> memref<128xi32, #tpu.memory_space<hbm>>
      tpu.wait_dma2 semaphore(%run_scoped3A : memref<!tpu.dma_semaphore, #tpu.memory_space<semaphore_mem>>) src(%dma_wait3A_44 : memref<128xi32, #tpu.memory_space<hbm>>) dst(%arg7 : memref<128xi32, #tpu.memory_space<vmem>>)
      tpu.yield
    }) : () -> ()
    %add3A_9 = arith.constant 384 : i32
    %add3A_10 = arith.addi %mul3A_2, %add3A_9 : i32
    "tpu.region"() ({
      %run_scoped3A = tpu.sem_alloc : memref<!tpu.dma_semaphore, #tpu.memory_space<semaphore_mem>>
      %dma_start3A_41 = tpu.memref_slice %arg3[%add3A_10] : memref<16384xi32, #tpu.memory_space<hbm>> -> memref<128xi32, #tpu.memory_space<hbm>>
      %dma_start3A_42 = tpu.memref_slice %arg3[%add3A_10] : memref<16384xi32, #tpu.memory_space<hbm>> -> memref<128xi32, #tpu.memory_space<hbm>>
      tpu.enqueue_dma source(%dma_start3A_42 : memref<128xi32, #tpu.memory_space<hbm>>) target(%arg8 : memref<128xi32, #tpu.memory_space<vmem>>) target_semaphore(%run_scoped3A : memref<!tpu.dma_semaphore, #tpu.memory_space<semaphore_mem>>)
      %dma_wait3A_43 = tpu.memref_slice %arg3[%add3A_10] : memref<16384xi32, #tpu.memory_space<hbm>> -> memref<128xi32, #tpu.memory_space<hbm>>
      %dma_wait3A_44 = tpu.memref_slice %arg3[%add3A_10] : memref<16384xi32, #tpu.memory_space<hbm>> -> memref<128xi32, #tpu.memory_space<hbm>>
      tpu.wait_dma2 semaphore(%run_scoped3A : memref<!tpu.dma_semaphore, #tpu.memory_space<semaphore_mem>>) src(%dma_wait3A_44 : memref<128xi32, #tpu.memory_space<hbm>>) dst(%arg8 : memref<128xi32, #tpu.memory_space<vmem>>)
      tpu.yield
    }) : () -> ()
    %dma_start3A = arith.constant 0 : i32
    %dma_start3A_11 = arith.constant 0 : i32
    %dma_start3A_12 = tpu.memref_slice %arg2[%dma_start3A, %dma_start3A_11] : memref<8192x256xf32, #tpu.memory_space<hbm>> -> memref<8192x256xf32, #tpu.memory_space<hbm>>
    tpu.enqueue_indirect_dma source(%dma_start3A_12 : memref<8192x256xf32, #tpu.memory_space<hbm>>) target(%arg9 : memref<128x256xf32, #tpu.memory_space<vmem>>) offsets(%arg5 : memref<128xi32, #tpu.memory_space<vmem>>) semaphore(%arg11 : memref<!tpu.dma_semaphore, #tpu.memory_space<semaphore_mem>>)
    %dma_start3A_13 = arith.constant 0 : i32
    %dma_start3A_14 = arith.constant 0 : i32
    %dma_start3A_15 = tpu.memref_slice %arg2[%dma_start3A_13, %dma_start3A_14] : memref<8192x256xf32, #tpu.memory_space<hbm>> -> memref<8192x256xf32, #tpu.memory_space<hbm>>
    tpu.enqueue_indirect_dma source(%dma_start3A_15 : memref<8192x256xf32, #tpu.memory_space<hbm>>) target(%arg10 : memref<128x256xf32, #tpu.memory_space<vmem>>) offsets(%arg6 : memref<128xi32, #tpu.memory_space<vmem>>) semaphore(%arg12 : memref<!tpu.dma_semaphore, #tpu.memory_space<semaphore_mem>>)
    %dma_wait3A = arith.constant 0 : i32
    %dma_wait3A_16 = arith.constant 0 : i32
    %dma_wait3A_17 = tpu.memref_slice %arg2[%dma_wait3A, %dma_wait3A_16] : memref<8192x256xf32, #tpu.memory_space<hbm>> -> memref<8192x256xf32, #tpu.memory_space<hbm>>
    tpu.wait_indirect_dma semaphore(%arg11 : memref<!tpu.dma_semaphore, #tpu.memory_space<semaphore_mem>>) src(%dma_wait3A_17 : memref<8192x256xf32, #tpu.memory_space<hbm>>) dst(%arg9 : memref<128x256xf32, #tpu.memory_space<vmem>>)
    %add3A_18 = arith.constant 0 : i32
    %add3A_19 = arith.addi %mul3A_2, %add3A_18 : i32
    "tpu.region"() ({
      %run_scoped3A = tpu.sem_alloc : memref<!tpu.dma_semaphore, #tpu.memory_space<semaphore_mem>>
      %dma_start3A_41 = arith.constant 0 : i32
      %dma_start3A_42 = tpu.memref_slice %arg4[%add3A_19, %dma_start3A_41] : memref<16384x256xf32, #tpu.memory_space<hbm>> -> memref<128x256xf32, #tpu.memory_space<hbm>>
      %dma_start3A_43 = arith.constant 0 : i32
      %dma_start3A_44 = tpu.memref_slice %arg4[%add3A_19, %dma_start3A_43] : memref<16384x256xf32, #tpu.memory_space<hbm>> -> memref<128x256xf32, #tpu.memory_space<hbm>>
      tpu.enqueue_dma source(%arg9 : memref<128x256xf32, #tpu.memory_space<vmem>>) target(%dma_start3A_44 : memref<128x256xf32, #tpu.memory_space<hbm>>) target_semaphore(%run_scoped3A : memref<!tpu.dma_semaphore, #tpu.memory_space<semaphore_mem>>)
      %dma_wait3A_45 = arith.constant 0 : i32
      %dma_wait3A_46 = tpu.memref_slice %arg4[%add3A_19, %dma_wait3A_45] : memref<16384x256xf32, #tpu.memory_space<hbm>> -> memref<128x256xf32, #tpu.memory_space<hbm>>
      %dma_wait3A_47 = arith.constant 0 : i32
      %dma_wait3A_48 = tpu.memref_slice %arg4[%add3A_19, %dma_wait3A_47] : memref<16384x256xf32, #tpu.memory_space<hbm>> -> memref<128x256xf32, #tpu.memory_space<hbm>>
      tpu.wait_dma2 semaphore(%run_scoped3A : memref<!tpu.dma_semaphore, #tpu.memory_space<semaphore_mem>>) src(%arg9 : memref<128x256xf32, #tpu.memory_space<vmem>>) dst(%dma_wait3A_48 : memref<128x256xf32, #tpu.memory_space<hbm>>)
      tpu.yield
    }) : () -> ()
    %dma_start3A_20 = arith.constant 0 : i32
    %dma_start3A_21 = arith.constant 0 : i32
    %dma_start3A_22 = tpu.memref_slice %arg2[%dma_start3A_20, %dma_start3A_21] : memref<8192x256xf32, #tpu.memory_space<hbm>> -> memref<8192x256xf32, #tpu.memory_space<hbm>>
    tpu.enqueue_indirect_dma source(%dma_start3A_22 : memref<8192x256xf32, #tpu.memory_space<hbm>>) target(%arg9 : memref<128x256xf32, #tpu.memory_space<vmem>>) offsets(%arg7 : memref<128xi32, #tpu.memory_space<vmem>>) semaphore(%arg11 : memref<!tpu.dma_semaphore, #tpu.memory_space<semaphore_mem>>)
    %dma_wait3A_23 = arith.constant 0 : i32
    %dma_wait3A_24 = arith.constant 0 : i32
    %dma_wait3A_25 = tpu.memref_slice %arg2[%dma_wait3A_23, %dma_wait3A_24] : memref<8192x256xf32, #tpu.memory_space<hbm>> -> memref<8192x256xf32, #tpu.memory_space<hbm>>
    tpu.wait_indirect_dma semaphore(%arg12 : memref<!tpu.dma_semaphore, #tpu.memory_space<semaphore_mem>>) src(%dma_wait3A_25 : memref<8192x256xf32, #tpu.memory_space<hbm>>) dst(%arg10 : memref<128x256xf32, #tpu.memory_space<vmem>>)
    %add3A_26 = arith.constant 128 : i32
    %add3A_27 = arith.addi %mul3A_2, %add3A_26 : i32
    "tpu.region"() ({
      %run_scoped3A = tpu.sem_alloc : memref<!tpu.dma_semaphore, #tpu.memory_space<semaphore_mem>>
      %dma_start3A_41 = arith.constant 0 : i32
      %dma_start3A_42 = tpu.memref_slice %arg4[%add3A_27, %dma_start3A_41] : memref<16384x256xf32, #tpu.memory_space<hbm>> -> memref<128x256xf32, #tpu.memory_space<hbm>>
      %dma_start3A_43 = arith.constant 0 : i32
      %dma_start3A_44 = tpu.memref_slice %arg4[%add3A_27, %dma_start3A_43] : memref<16384x256xf32, #tpu.memory_space<hbm>> -> memref<128x256xf32, #tpu.memory_space<hbm>>
      tpu.enqueue_dma source(%arg10 : memref<128x256xf32, #tpu.memory_space<vmem>>) target(%dma_start3A_44 : memref<128x256xf32, #tpu.memory_space<hbm>>) target_semaphore(%run_scoped3A : memref<!tpu.dma_semaphore, #tpu.memory_space<semaphore_mem>>)
      %dma_wait3A_45 = arith.constant 0 : i32
      %dma_wait3A_46 = tpu.memref_slice %arg4[%add3A_27, %dma_wait3A_45] : memref<16384x256xf32, #tpu.memory_space<hbm>> -> memref<128x256xf32, #tpu.memory_space<hbm>>
      %dma_wait3A_47 = arith.constant 0 : i32
      %dma_wait3A_48 = tpu.memref_slice %arg4[%add3A_27, %dma_wait3A_47] : memref<16384x256xf32, #tpu.memory_space<hbm>> -> memref<128x256xf32, #tpu.memory_space<hbm>>
      tpu.wait_dma2 semaphore(%run_scoped3A : memref<!tpu.dma_semaphore, #tpu.memory_space<semaphore_mem>>) src(%arg10 : memref<128x256xf32, #tpu.memory_space<vmem>>) dst(%dma_wait3A_48 : memref<128x256xf32, #tpu.memory_space<hbm>>)
      tpu.yield
    }) : () -> ()
    %dma_start3A_28 = arith.constant 0 : i32
    %dma_start3A_29 = arith.constant 0 : i32
    %dma_start3A_30 = tpu.memref_slice %arg2[%dma_start3A_28, %dma_start3A_29] : memref<8192x256xf32, #tpu.memory_space<hbm>> -> memref<8192x256xf32, #tpu.memory_space<hbm>>
    tpu.enqueue_indirect_dma source(%dma_start3A_30 : memref<8192x256xf32, #tpu.memory_space<hbm>>) target(%arg10 : memref<128x256xf32, #tpu.memory_space<vmem>>) offsets(%arg8 : memref<128xi32, #tpu.memory_space<vmem>>) semaphore(%arg12 : memref<!tpu.dma_semaphore, #tpu.memory_space<semaphore_mem>>)
    %dma_wait3A_31 = arith.constant 0 : i32
    %dma_wait3A_32 = arith.constant 0 : i32
    %dma_wait3A_33 = tpu.memref_slice %arg2[%dma_wait3A_31, %dma_wait3A_32] : memref<8192x256xf32, #tpu.memory_space<hbm>> -> memref<8192x256xf32, #tpu.memory_space<hbm>>
    tpu.wait_indirect_dma semaphore(%arg11 : memref<!tpu.dma_semaphore, #tpu.memory_space<semaphore_mem>>) src(%dma_wait3A_33 : memref<8192x256xf32, #tpu.memory_space<hbm>>) dst(%arg9 : memref<128x256xf32, #tpu.memory_space<vmem>>)
    %add3A_34 = arith.constant 256 : i32
    %add3A_35 = arith.addi %mul3A_2, %add3A_34 : i32
    "tpu.region"() ({
      %run_scoped3A = tpu.sem_alloc : memref<!tpu.dma_semaphore, #tpu.memory_space<semaphore_mem>>
      %dma_start3A_41 = arith.constant 0 : i32
      %dma_start3A_42 = tpu.memref_slice %arg4[%add3A_35, %dma_start3A_41] : memref<16384x256xf32, #tpu.memory_space<hbm>> -> memref<128x256xf32, #tpu.memory_space<hbm>>
      %dma_start3A_43 = arith.constant 0 : i32
      %dma_start3A_44 = tpu.memref_slice %arg4[%add3A_35, %dma_start3A_43] : memref<16384x256xf32, #tpu.memory_space<hbm>> -> memref<128x256xf32, #tpu.memory_space<hbm>>
      tpu.enqueue_dma source(%arg9 : memref<128x256xf32, #tpu.memory_space<vmem>>) target(%dma_start3A_44 : memref<128x256xf32, #tpu.memory_space<hbm>>) target_semaphore(%run_scoped3A : memref<!tpu.dma_semaphore, #tpu.memory_space<semaphore_mem>>)
      %dma_wait3A_45 = arith.constant 0 : i32
      %dma_wait3A_46 = tpu.memref_slice %arg4[%add3A_35, %dma_wait3A_45] : memref<16384x256xf32, #tpu.memory_space<hbm>> -> memref<128x256xf32, #tpu.memory_space<hbm>>
      %dma_wait3A_47 = arith.constant 0 : i32
      %dma_wait3A_48 = tpu.memref_slice %arg4[%add3A_35, %dma_wait3A_47] : memref<16384x256xf32, #tpu.memory_space<hbm>> -> memref<128x256xf32, #tpu.memory_space<hbm>>
      tpu.wait_dma2 semaphore(%run_scoped3A : memref<!tpu.dma_semaphore, #tpu.memory_space<semaphore_mem>>) src(%arg9 : memref<128x256xf32, #tpu.memory_space<vmem>>) dst(%dma_wait3A_48 : memref<128x256xf32, #tpu.memory_space<hbm>>)
      tpu.yield
    }) : () -> ()
    %dma_wait3A_36 = arith.constant 0 : i32
    %dma_wait3A_37 = arith.constant 0 : i32
    %dma_wait3A_38 = tpu.memref_slice %arg2[%dma_wait3A_36, %dma_wait3A_37] : memref<8192x256xf32, #tpu.memory_space<hbm>> -> memref<8192x256xf32, #tpu.memory_space<hbm>>
    tpu.wait_indirect_dma semaphore(%arg12 : memref<!tpu.dma_semaphore, #tpu.memory_space<semaphore_mem>>) src(%dma_wait3A_38 : memref<8192x256xf32, #tpu.memory_space<hbm>>) dst(%arg10 : memref<128x256xf32, #tpu.memory_space<vmem>>)
    %add3A_39 = arith.constant 384 : i32
    %add3A_40 = arith.addi %mul3A_2, %add3A_39 : i32
    "tpu.region"() ({
      %run_scoped3A = tpu.sem_alloc : memref<!tpu.dma_semaphore, #tpu.memory_space<semaphore_mem>>
      %dma_start3A_41 = arith.constant 0 : i32
      %dma_start3A_42 = tpu.memref_slice %arg4[%add3A_40, %dma_start3A_41] : memref<16384x256xf32, #tpu.memory_space<hbm>> -> memref<128x256xf32, #tpu.memory_space<hbm>>
      %dma_start3A_43 = arith.constant 0 : i32
      %dma_start3A_44 = tpu.memref_slice %arg4[%add3A_40, %dma_start3A_43] : memref<16384x256xf32, #tpu.memory_space<hbm>> -> memref<128x256xf32, #tpu.memory_space<hbm>>
      tpu.enqueue_dma source(%arg10 : memref<128x256xf32, #tpu.memory_space<vmem>>) target(%dma_start3A_44 : memref<128x256xf32, #tpu.memory_space<hbm>>) target_semaphore(%run_scoped3A : memref<!tpu.dma_semaphore, #tpu.memory_space<semaphore_mem>>)
      %dma_wait3A_45 = arith.constant 0 : i32
      %dma_wait3A_46 = tpu.memref_slice %arg4[%add3A_40, %dma_wait3A_45] : memref<16384x256xf32, #tpu.memory_space<hbm>> -> memref<128x256xf32, #tpu.memory_space<hbm>>
      %dma_wait3A_47 = arith.constant 0 : i32
      %dma_wait3A_48 = tpu.memref_slice %arg4[%add3A_40, %dma_wait3A_47] : memref<16384x256xf32, #tpu.memory_space<hbm>> -> memref<128x256xf32, #tpu.memory_space<hbm>>
      tpu.wait_dma2 semaphore(%run_scoped3A : memref<!tpu.dma_semaphore, #tpu.memory_space<semaphore_mem>>) src(%arg10 : memref<128x256xf32, #tpu.memory_space<vmem>>) dst(%dma_wait3A_48 : memref<128x256xf32, #tpu.memory_space<hbm>>)
      tpu.yield
    }) : () -> ()
    return
  }
}

module attributes {stable_mosaic.version = 14 : i64} {
  func.func @_argmin_body(%arg0: i32, %arg1: i32, %arg2: memref<1x1024xf32, #tpu.memory_space<vmem>>, %arg3: memref<2736x1xf32, #tpu.memory_space<vmem>>, %arg4: memref<1x256x1024xbf16, #tpu.memory_space<vmem>>, %arg5: memref<2736x256xbf16, #tpu.memory_space<vmem>>, %arg6: memref<16x1024xi32, #tpu.memory_space<vmem>>, %arg7: memref<16x1024xf32, #tpu.memory_space<vmem>>) attributes {dimension_semantics = [#tpu.dimension_semantics<arbitrary>, #tpu.dimension_semantics<arbitrary>], iteration_bounds = array<i64: 3, 16>, scalar_prefetch = 0 : i64, scratch_operands = 1 : i64, tpu.core_type = #tpu.core_type<tc>, window_params = [{transform_indices = @transform_0, window_bounds = array<i64: 1, 1024>}, {transform_indices = @transform_1, window_bounds = array<i64: 2736, 1>}, {transform_indices = @transform_2, window_bounds = array<i64: 1, 256, 1024>}, {transform_indices = @transform_3, window_bounds = array<i64: 2736, 256>}, {pipeline_mode = #tpu.pipeline_mode<synchronous>, transform_indices = @transform_4, window_bounds = array<i64: 16, 1024>}]} {
    %get3A = arith.constant 0 : index
    %get3A_0 = arith.constant 0 : index
    %get3A_1 = arith.constant 0 : index
    %get3A_2 = vector.load %arg4[%get3A, %get3A_0, %get3A_1] : memref<1x256x1024xbf16, #tpu.memory_space<vmem>>, vector<1x256x1024xbf16>
    %get3A_3 = vector.shape_cast %get3A_2 : vector<1x256x1024xbf16> to vector<256x1024xbf16>
    %get3A_4 = arith.constant 0 : index
    %get3A_5 = arith.constant 0 : index
    %get3A_6 = vector.load %arg5[%get3A_4, %get3A_5] : memref<2736x256xbf16, #tpu.memory_space<vmem>>, vector<2736x256xbf16>
    %dot_general3A = arith.constant dense<0.000000e+00> : vector<2736x1024xf32>
    %dot_general3A_7 = tpu.matmul %get3A_6, %get3A_3, %dot_general3A {dimension_numbers = #tpu.dot_dimension_numbers<[1], [0], [0], [1], [0, 0, 1, 1], [], []>, transpose_lhs_hint = false} : vector<2736x256xbf16>, vector<256x1024xbf16>, vector<2736x1024xf32> -> vector<2736x1024xf32>
    %get3A_8 = arith.constant 0 : index
    %get3A_9 = arith.constant 0 : index
    %get3A_10 = vector.load %arg3[%get3A_8, %get3A_9] : memref<2736x1xf32, #tpu.memory_space<vmem>>, vector<2736x1xf32>
    %get3A_11 = arith.constant 0 : index
    %get3A_12 = arith.constant 0 : index
    %get3A_13 = vector.load %arg2[%get3A_11, %get3A_12] : memref<1x1024xf32, #tpu.memory_space<vmem>>, vector<1x1024xf32>
    %add3A = vector.broadcast %get3A_10 : vector<2736x1xf32> to vector<2736x1024xf32>
    %add3A_14 = vector.broadcast %get3A_13 : vector<1x1024xf32> to vector<2736x1024xf32>
    %add3A_15 = arith.addf %add3A, %add3A_14 : vector<2736x1024xf32>
    %sub3A = arith.subf %add3A_15, %dot_general3A_7 : vector<2736x1024xf32>
    %iota3A = tpu.iota {dimensions = array<i32: 0>} : vector<2736x1024xi32>
    %mul3A = arith.constant 2736 : i32
    %mul3A_16 = arith.muli %arg0, %mul3A : i32
    %add3A_17 = vector.broadcast %mul3A_16 : i32 to vector<2736x1024xi32>
    %add3A_18 = arith.addi %iota3A, %add3A_17 : vector<2736x1024xi32>
    %reduce_min3A = arith.constant dense<0x7F800000> : vector<1024xf32>
    %reduce_min3A_19 = vector.multi_reduction <minimumf>, %sub3A, %reduce_min3A [0] : vector<2736x1024xf32> to vector<1024xf32>
    %broadcast_in_dim3A = vector.shape_cast %reduce_min3A_19 : vector<1024xf32> to vector<1x1024xf32>
    %eq3A = vector.broadcast %broadcast_in_dim3A : vector<1x1024xf32> to vector<2736x1024xf32>
    %eq3A_20 = arith.cmpf oeq, %sub3A, %eq3A : vector<2736x1024xf32>
    %jit3A = arith.constant 1073741824 : i32
    %broadcast_in_dim3A_21 = vector.broadcast %jit3A : i32 to vector<2736x1024xi32>
    %select_n3A = arith.select %eq3A_20, %add3A_18, %broadcast_in_dim3A_21 : vector<2736x1024xi1>, vector<2736x1024xi32>
    %reduce_min3A_22 = arith.constant dense<2147483647> : vector<1024xi32>
    %reduce_min3A_23 = vector.multi_reduction <minsi>, %select_n3A, %reduce_min3A_22 [0] : vector<2736x1024xi32> to vector<1024xi32>
    %broadcast_in_dim3A_24 = vector.shape_cast %reduce_min3A_23 : vector<1024xi32> to vector<1x1024xi32>
    %convert_element_type3A = arith.truncf %broadcast_in_dim3A : vector<1x1024xf32> to vector<1x1024xbf16>
    %convert_element_type3A_25 = arith.extf %convert_element_type3A : vector<1x1024xbf16> to vector<1x1024xf32>
    %eq3A_26 = arith.constant 0 : i32
    %eq3A_27 = arith.cmpi eq, %arg0, %eq3A_26 : i32
    %convert_element_type3A_28 = arith.extui %eq3A_27 : i1 to i32
    %cond3A = arith.constant 0 : i32
    %cond3A_29 = arith.cmpi ne, %convert_element_type3A_28, %cond3A : i32
    scf.if %cond3A_29 {
      %swap3A = arith.index_cast %arg1 : i32 to index
      %swap3A_34 = arith.constant 0 : index
      %swap3A_35 = vector.load %arg7[%swap3A, %swap3A_34] : memref<16x1024xf32, #tpu.memory_space<vmem>>, vector<1x1024xf32>
      tpu.vector_store %arg7[%swap3A, %swap3A_34], %convert_element_type3A_25 {strides = array<i32>} : memref<16x1024xf32, #tpu.memory_space<vmem>>, vector<1x1024xf32>,
      %swap3A_36 = arith.index_cast %arg1 : i32 to index
      %swap3A_37 = arith.constant 0 : index
      %swap3A_38 = vector.load %arg6[%swap3A_36, %swap3A_37] : memref<16x1024xi32, #tpu.memory_space<vmem>>, vector<1x1024xi32>
      tpu.vector_store %arg6[%swap3A_36, %swap3A_37], %broadcast_in_dim3A_24 {strides = array<i32>} : memref<16x1024xi32, #tpu.memory_space<vmem>>, vector<1x1024xi32>,
    } else {
    }
    %gt3A = arith.constant 0 : i32
    %gt3A_30 = arith.cmpi sgt, %arg0, %gt3A : i32
    %convert_element_type3A_31 = arith.extui %gt3A_30 : i1 to i32
    %cond3A_32 = arith.constant 0 : i32
    %cond3A_33 = arith.cmpi ne, %convert_element_type3A_31, %cond3A_32 : i32
    scf.if %cond3A_33 {
      %get3A_34 = arith.index_cast %arg1 : i32 to index
      %get3A_35 = arith.constant 0 : index
      %get3A_36 = vector.load %arg7[%get3A_34, %get3A_35] : memref<16x1024xf32, #tpu.memory_space<vmem>>, vector<1x1024xf32>
      %get3A_37 = arith.index_cast %arg1 : i32 to index
      %get3A_38 = arith.constant 0 : index
      %get3A_39 = vector.load %arg6[%get3A_37, %get3A_38] : memref<16x1024xi32, #tpu.memory_space<vmem>>, vector<1x1024xi32>
      %lt3A = arith.cmpf olt, %broadcast_in_dim3A, %get3A_36 : vector<1x1024xf32>
      %select_n3A_40 = arith.select %lt3A, %broadcast_in_dim3A, %get3A_36 : vector<1x1024xi1>, vector<1x1024xf32>
      %convert_element_type3A_41 = arith.truncf %select_n3A_40 : vector<1x1024xf32> to vector<1x1024xbf16>
      %convert_element_type3A_42 = arith.extf %convert_element_type3A_41 : vector<1x1024xbf16> to vector<1x1024xf32>
      %swap3A = arith.index_cast %arg1 : i32 to index
      %swap3A_43 = arith.constant 0 : index
      %swap3A_44 = vector.load %arg7[%swap3A, %swap3A_43] : memref<16x1024xf32, #tpu.memory_space<vmem>>, vector<1x1024xf32>
      tpu.vector_store %arg7[%swap3A, %swap3A_43], %convert_element_type3A_42 {strides = array<i32>} : memref<16x1024xf32, #tpu.memory_space<vmem>>, vector<1x1024xf32>,
      %select_n3A_45 = arith.select %lt3A, %broadcast_in_dim3A_24, %get3A_39 : vector<1x1024xi1>, vector<1x1024xi32>
      %swap3A_46 = arith.index_cast %arg1 : i32 to index
      %swap3A_47 = arith.constant 0 : index
      %swap3A_48 = vector.load %arg6[%swap3A_46, %swap3A_47] : memref<16x1024xi32, #tpu.memory_space<vmem>>, vector<1x1024xi32>
      tpu.vector_store %arg6[%swap3A_46, %swap3A_47], %select_n3A_45 {strides = array<i32>} : memref<16x1024xi32, #tpu.memory_space<vmem>>, vector<1x1024xi32>,
    } else {
    }
    return
  }
  func.func @transform_0(%arg0: i32, %arg1: i32) -> (i32, i32) {
    %c0_i32 = arith.constant 0 : i32
    %c0_i32_0 = arith.constant 0 : i32
    return %c0_i32, %arg1 : i32, i32
  }
  func.func @transform_1(%arg0: i32, %arg1: i32) -> (i32, i32) {
    %c0_i32 = arith.constant 0 : i32
    %c0_i32_0 = arith.constant 0 : i32
    return %arg0, %c0_i32 : i32, i32
  }
  func.func @transform_2(%arg0: i32, %arg1: i32) -> (i32, i32, i32) {
    %jit3A = arith.constant 1 : i32
    %div3A = arith.divsi %arg1, %jit3A : i32
    %sign3A = arith.constant 0 : i32
    %sign3A_0 = arith.cmpi sgt, %arg1, %sign3A : i32
    %sign3A_1 = arith.extui %sign3A_0 : i1 to i32
    %sign3A_2 = arith.constant 0 : i32
    %sign3A_3 = arith.cmpi slt, %arg1, %sign3A_2 : i32
    %sign3A_4 = arith.extui %sign3A_3 : i1 to i32
    %sign3A_5 = arith.subi %sign3A_1, %sign3A_4 : i32
    %sign3A_6 = arith.constant 0 : i32
    %sign3A_7 = arith.cmpi sgt, %jit3A, %sign3A_6 : i32
    %sign3A_8 = arith.extui %sign3A_7 : i1 to i32
    %sign3A_9 = arith.constant 0 : i32
    %sign3A_10 = arith.cmpi slt, %jit3A, %sign3A_9 : i32
    %sign3A_11 = arith.extui %sign3A_10 : i1 to i32
    %sign3A_12 = arith.subi %sign3A_8, %sign3A_11 : i32
    %ne3A = arith.cmpi ne, %sign3A_5, %sign3A_12 : i32
    %rem3A = arith.remsi %arg1, %jit3A : i32
    %ne3A_13 = arith.constant 0 : i32
    %ne3A_14 = arith.cmpi ne, %rem3A, %ne3A_13 : i32
    %and3A = arith.andi %ne3A, %ne3A_14 : i1
    %sub3A = arith.constant 1 : i32
    %sub3A_15 = arith.subi %div3A, %sub3A : i32
    %select_n3A = arith.select %and3A, %sub3A_15, %div3A : i32
    %jit3A_16 = arith.constant 1 : i32
    %eq3A = arith.constant 0 : i32
    %eq3A_17 = arith.cmpi eq, %jit3A_16, %eq3A : i32
    %jit3A_18 = arith.constant 1 : i32
    %select_n3A_19 = arith.select %eq3A_17, %jit3A_18, %jit3A_16 : i32
    %rem3A_20 = arith.remsi %arg1, %select_n3A_19 : i32
    %ne3A_21 = arith.constant 0 : i32
    %ne3A_22 = arith.cmpi ne, %rem3A_20, %ne3A_21 : i32
    %lt3A = arith.constant 0 : i32
    %lt3A_23 = arith.cmpi slt, %rem3A_20, %lt3A : i32
    %lt3A_24 = arith.constant 0 : i32
    %lt3A_25 = arith.cmpi slt, %select_n3A_19, %lt3A_24 : i32
    %ne3A_26 = arith.xori %lt3A_23, %lt3A_25 : i1
    %and3A_27 = arith.andi %ne3A_26, %ne3A_22 : i1
    %add3A = arith.addi %rem3A_20, %select_n3A_19 : i32
    %select_n3A_28 = arith.select %and3A_27, %add3A, %rem3A_20 : i32
    %c0_i32 = arith.constant 0 : i32
    %c0_i32_29 = arith.constant 0 : i32
    return %select_n3A, %c0_i32, %select_n3A_28 : i32, i32, i32
  }
  func.func @transform_3(%arg0: i32, %arg1: i32) -> (i32, i32) {
    %c0_i32 = arith.constant 0 : i32
    %c0_i32_0 = arith.constant 0 : i32
    return %arg0, %c0_i32 : i32, i32
  }
  func.func @transform_4(%arg0: i32, %arg1: i32) -> (i32, i32) {
    %c0_i32 = arith.constant 0 : i32
    %c0_i32_0 = arith.constant 0 : i32
    %c0_i32_1 = arith.constant 0 : i32
    return %c0_i32, %c0_i32_0 : i32, i32
  }
}

</mosaic_0001>

<sc_bundles>
// kernel: kernel.4.cloned.1.call-start
scs
__scs_entry_jumppad:
0x0: {  	(pc) =	sbr.rel $0x88, $3  }
0x1: {  	(tag) =	ssettag $0x0;
	lr =	simm.s32 $0x1  }
0x2: {  	[smem:$0x3F9F] =	sst lr;
	_ =	strace $0xD0000000  }
0x3: {  	_ = 	snop  }
0x4: {  	_ = 	snop  }
0x5: {  	_ = 	snop  }
0x6: {  	_ = 	snop  }
0x7: {  	_ = 	snop  }
__scs_overlays_trampoline_lowered:
0x8: {  	[smem:$0x3FAE] =	sst s0  }
0x9: {  	[smem:$0x3FAF] =	sst s1  }
0xa: {  	[smem:$0x3FB0] =	sst s2  }
0xb: {  	[smem:$0x3FB1] =	sst s3  }
0xc: {  	[smem:$0x3FB2] =	sst s4  }
0xd: {  	[smem:$0x3FB3] =	sst s5  }
0xe: {  	[smem:$0x3FB4] =	sst s6  }
0xf: {  	[smem:$0x3FB5] =	sst s7  }
0x10: {  	[smem:$0x3FB6] =	sst s8  }
0x11: {  	[smem:$0x3FB7] =	sst s9;
	s0 =	simm.s32 @!p0 $0x0  }
0x12: {  	s1 =	sld [smem:$0x3F9D];
	s0 =	simm.s32 @p0 $0x1  }
0x13: {  	[smem:$0x3FB8] =	sst s0;
	s0 =	simm.s32 @!p1 $0x0  }
0x14: {  	s2 =	sld [smem:$0x3F9C];
	s0 =	simm.s32 @p1 $0x1  }
0x15: {  	[smem:$0x3FB9] =	sst s0;
	s0 =	simm.s32 @!p2 $0x0  }
0x16: {  	s3 =	sld [smem:$0x3FDB];
	s0 =	simm.s32 @p2 $0x1  }
0x17: {  	s4 =	simm.s32 $0x1BF5;
	[smem:$0x3FBB] =	sst s0  }
0x18: {  	s0 =	sld [smem:$0x3F9E];
	_ =	swait.ge [sflag:s4], $0x0  }
0x19: {  	s7 =	sld [smem:$0x3F9F]  }
0x1a: {  	s8 =	sadd.s32 $0xFFFFE003, lr  }
0x1b: {  	s9 =	sadd.s32 $0xFFFFFEF7, lr;
	s5 =	simm.s32 $0xFFFFFFFF;
	p2 =	slt.u32 s8, $0xFFFFF086  }
0x1c: {  	p1 =	slt.u32 s9, $0xF7A;
	s5 =	simm.s32 @!p2 $0x0  }
0x1d: {  	s5 =	simm.s32 @p1 $0x1;
	p0 =	seq.s32 s7, s2  }
0x1e: {  	s7 =	smul.u32 @!p0 $0xF7A, s2;
	p2 =	seq.s32 @!p0 s5, $0x0  }
0x1f: {  	s9 =	smul.u32 $0xF7A, s1;
	s8 =	simm.s32 @!p0 $0x1BF5;
	p2 =	por !p2, p0  }
0x20: {  	[sflag:s8] =	ssyncset.s32 @!p0 $0xFFFFF086;
	s6 =	sadd.s32 @!p0 s3, s7;
	s7 =	simm.s32 @!p0 $0x108  }
0x21: {  	s3 =	sadd.s32 s3, s9;
	s6 =	sadd.s32 @!p0 $0x88, s6;
	s7 =	simm.s32 @p2 $0x1082  }
0x22: {  	[simem:s7], [sflag:s8] =	dma.local @!p0 [hbm:s6], $0xF7A  }
0x23: {  	s9 =	sor.u32 $0xD0000000, s2;
	s6 =	simm.s32 $0x108;
	_ =	swait.ge @!p0 [sflag:s8], $0x0  }
0x24: {  	s3 =	sadd.s32 $0x88, s3;
	s6 =	simm.s32 @!p1 $0x1082;
	[sflag:s4] =	ssyncset.s32 $0xFFFFF086  }
0x25: {  	[simem:s6], [sflag:s4] =	dma.local [hbm:s3], $0xF7A  }
0x26: {  	[smem:$0x3F9F] =	sst s1;
	(tag) =	ssettag s2;
	_ =	strace s9  }
0x27: {  	s1 =	sld [smem:$0x3FAF]  }
0x28: {  	s2 =	sld [smem:$0x3FB0]  }
0x29: {  	s4 =	sld [smem:$0x3FB2]  }
0x2a: {  	p0 =	seq.s32 s5, $0x0;
	s5 =	sld [smem:$0x3FB3]  }
0x2b: {  	s6 =	sld [smem:$0x3FB4]  }
0x2c: {  	s7 =	sld [smem:$0x3FB5]  }
0x2d: {  	s3 =	simm.s32 $0x108;
	s8 =	sld [smem:$0x3FB6]  }
0x2e: {  	s3 =	simm.s32 @!p0 $0x1082;
	s9 =	sld [smem:$0x3FB7]  }
0x2f: {  	lr =	sadd.s32 s0, s3;
	s0 =	sld [smem:$0x3FAE]  }
0x30: {  	s3 =	sld [smem:$0x3FB1]  }
0x31: {  	[smem:$0x3FBA] =	sst s10  }
0x32: {  	s10 =	sld [smem:$0x3FB8];
	_ =	sdelay $0x3  }
0x33: {  	p0 =	seq.s32 s10, $0x1;
	s10 =	sld [smem:$0x3FBA];
	_ =	sdelay $0x3  }
0x34: {  	[smem:$0x3FBA] =	sst s10  }
0x35: {  	s10 =	sld [smem:$0x3FB9];
	_ =	sdelay $0x3  }
0x36: {  	p1 =	seq.s32 s10, $0x1;
	s10 =	sld [smem:$0x3FBA];
	_ =	sdelay $0x3  }
0x37: {  	[smem:$0x3FBA] =	sst s10  }
0x38: {  	s10 =	sld [smem:$0x3FBB]  }
0x39: {  	_ = 	snop;
	(pc) =	sbr.ind lr, $3  }
0x3a: {  	_ = 	snop  }
0x3b: {  	_ = 	snop  }
0x3c: {  	p2 =	seq.s32 s10, $0x1;
	s10 =	sld [smem:$0x3FBA]  }
0x3d: {  	_ =	shalt  }
0x3e: {  	_ =	shalt  }
0x3f: {  	_ =	shalt  }
0x40: {  	_ =	shalt  }
0x41: {  	_ =	shalt  }
0x42: {  	_ =	shalt  }
0x43: {  	_ =	shalt  }
0x44: {  	_ =	shalt  }
0x45: {  	_ =	shalt  }
0x46: {  	_ =	shalt  }
0x47: {  	_ =	shalt  }
0x48: {  	_ =	shalt  }
0x49: {  	_ =	shalt  }
0x4a: {  	_ =	shalt  }
0x4b: {  	_ =	shalt  }
0x4c: {  	_ =	shalt  }
0x4d: {  	_ =	shalt  }
0x4e: {  	_ =	shalt  }
0x4f: {  	_ =	shalt  }
0x50: {  	_ =	shalt  }
0x51: {  	_ =	shalt  }
0x52: {  	_ =	shalt  }
0x53: {  	_ =	shalt  }
0x54: {  	_ =	shalt  }
0x55: {  	_ =	shalt  }
0x56: {  	_ =	shalt  }
0x57: {  	_ =	shalt  }
0x58: {  	_ =	shalt  }
0x59: {  	_ =	shalt  }
0x5a: {  	_ =	shalt  }
0x5b: {  	_ =	shalt  }
0x5c: {  	_ =	shalt  }
0x5d: {  	_ =	shalt  }
0x5e: {  	_ =	shalt  }
0x5f: {  	_ =	shalt  }
0x60: {  	_ =	shalt  }
0x61: {  	_ =	shalt  }
0x62: {  	_ =	shalt  }
0x63: {  	_ =	shalt  }
0x64: {  	_ =	shalt  }
0x65: {  	_ =	shalt  }
0x66: {  	_ =	shalt  }
0x67: {  	_ =	shalt  }
0x68: {  	_ =	shalt  }
0x69: {  	_ =	shalt  }
0x6a: {  	_ =	shalt  }
0x6b: {  	_ =	shalt  }
0x6c: {  	_ =	shalt  }
0x6d: {  	_ =	shalt  }
0x6e: {  	_ =	shalt  }
0x6f: {  	_ =	shalt  }
0x70: {  	_ =	shalt  }
0x71: {  	_ =	shalt  }
0x72: {  	_ =	shalt  }
0x73: {  	_ =	shalt  }
0x74: {  	_ =	shalt  }
0x75: {  	_ =	shalt  }
0x76: {  	_ =	shalt  }
0x77: {  	_ =	shalt  }
0x78: {  	_ =	shalt  }
0x79: {  	_ =	shalt  }
0x7a: {  	_ =	shalt  }
0x7b: {  	_ =	shalt  }
0x7c: {  	_ =	shalt  }
0x7d: {  	_ =	shalt  }
0x7e: {  	_ =	shalt  }
0x7f: {  	_ =	shalt  }
0x80: {  	_ =	shalt  }
0x81: {  	_ =	shalt  }
0x82: {  	_ =	shalt  }
0x83: {  	_ =	shalt  }
0x84: {  	_ =	shalt  }
0x85: {  	_ =	shalt  }
0x86: {  	_ =	shalt  }
0x87: {  	_ =	shalt  }
.Lfunc_end0:
.L_simem_size_0:
called_computation.1_lowered:
.L_overlay_start_0:
0x88: {  	s2 =	sld [smem:$0x3FD9]  }
0x89: {  	s3 =	sld [smem:$0x3FFE];
	_ =	sdelay $0x1  }
0x8a: {  	s1 =	srdreg.scid  }
0x8b: {  	s0 =	sand.u32 $0x1, s1  }
0x8c: {  	s15 =	sshll.u32 s0, $0xA;
	s2 =	sadd.s32 s3, s2  }
0x8d: {  	s2 =	sadd.s32 s2, s15  }
0x8e: {  	[smem:$0x3FC6] =	sst s2  }
0x8f: {  	_ = 	snop  }
0x90: {  	s16 =	sld [smem:$0x3FD0];
	_ =	sdelay $0x2  }
0x91: {  	s4 =	simm.s32 $0xB;
	s5 =	simm.s32 $0x10;
	s2 =	sld [smem:$0x3FC8]  }
0x92: {  	[smem:s5], [sflag:s4] =	dma.local [hbm:s16], $0x1  }
0x93: {  	_ =	swait.eq [sflag:s4], $0x1  }
0x94: {  	[sflag:s4] =	ssyncset.done $0x0  }
0x95: {  	[sflag:s4] =	ssyncadd.s32 $0xFFFFFFFF  }
0x96: {  	s17 =	sld [smem:$0x10];
	(tm) =	ssettm $0x1  }
0x97: {  	s18 =	sld [smem:$0x3FFB];
	_ =	sdelay $0x3  }
0x98: {  	_ =	strace s18  }
0x99: {  	s3 =	sld [smem:$0x3FFC];
	_ =	sdelay $0x3  }
0x9a: {  	_ =	strace s3  }
0x9b: {  	s3 =	sld [smem:$0x3FFD];
	_ =	sdelay $0x3  }
0x9c: {  	_ =	strace s3  }
0x9d: {  	_ =	strace $0x8FFFFFFF  }
0x9e: {  	s19 =	sld [smem:$0x3FDB];
	_ =	sdelay $0x1  }
0x9f: {  	s20 =	simm.s32 $_scs_section_size  }
0xa0: {  	s6 =	simm.s32 $_size__tile_overlayer_lowered;
	s7 =	simm.s32 $_tile_overlayer_lowered  }
0xa1: {  	s8 =	simm.s32 $0x1BFF;
	s21 =	sshll.u32 s7, $0x1;
	s5 =	sadd.s32 s20, s19  }
0xa2: {  	s22 =	simm.s32 $0x0;
	s6 =	sshll.u32 s6, $0x1;
	s7 =	sadd.s32 s21, s5  }
0xa3: {  	[timem:s22], [sflag:s8] =	dma.local [hbm:s7], s6  }
0xa4: {  	_ =	swait.ge [sflag:s8], s6  }
0xa5: {  	s6 =	ssub.s32 $0x0, s6;
	[sflag:s8] =	ssyncset.done $0x0  }
0xa6: {  	[sflag:s8] =	ssyncadd.s32 s6;
	_ =	sdelay $0x1  }
0xa7: {  	s23 =	simm.s32 $0x1B8B  }
0xa8: {  	_ =	swait.ge [sflag:s23], $0x1  }
0xa9: {  	[sflag:s23] =	ssyncset.done $0x0  }
0xaa: {  	[sflag:s23] =	ssyncadd.s32 $0xFFFFFFFF  }
0xab: {  	s6 =	sld [smem:$0x0]  }
0xac: {  	s7 =	sand.u32 $0xFFFFFFFE, s1  }
0xad: {  	p0 =	sne.s32 s1, s7  }
0xae: {  	s7 =	sshll.u32 @p0 s7, $0xE  }
0xaf: {  	s7 =	sadd.s32 @p0 $0x11B8D, s7;
	s8 =	sshll.u32 @p0 s6, $0x11  }
0xb0: {  	s7 =	sor.u32 @p0 s8, s7  }
0xb1: {  	[sflag:s7] =	ssyncadd.remote.s32 @p0 $0x1;
	_ =	sdelay $0x1  }
0xb2: {  	s7 =	simm.s32 @p0 $0x1B8D  }
0xb3: {  	_ =	swait.eq @p0 [sflag:s7], $0x1  }
0xb4: {  	[sflag:s7] =	ssyncadd.s32 @p0 $0xFFFFFFFF  }
0xb5: {  	s8 =	sshll.u32 @!p0 s1, $0xE  }
0xb6: {  	s8 =	sor.u32 @!p0 $0x4000, s8;
	s7 =	simm.s32 @!p0 $0x1B8D  }
0xb7: {  	s6 =	sshll.u32 @!p0 s6, $0x11;
	s8 =	sadd.s32 @!p0 $0x11B8D, s8;
	_ =	swait.eq @!p0 [sflag:s7], $0x1  }
0xb8: {  	s6 =	sor.u32 @!p0 s6, s8;
	[sflag:s7] =	ssyncadd.s32 @!p0 $0xFFFFFFFF  }
0xb9: {  	s25 =	simm.s32 $0x1B8E;
	s24 =	sld [smem:$0x3FFE];
	[sflag:s6] =	ssyncadd.remote.s32 @!p0 $0x1  }
0xba: {  	s26 =	simm.s32 $execute0_lowered;
	[smem:$0x3FD2] =	sst s25  }
0xbb: {  	s7 =	sshll.u32 s26, $0x1;
	_ =	strace $0x80000049;
	[dreg:$0x1] =	wrdreg $0xFFFFFFFF  }
0xbc: {  	s28 =	simm.s32 $_size_execute0_lowered;
	s5 =	sadd.s32 s5, s7;
	[dreg:$0x0] =	wrdreg $0x0  }
0xbd: {  	s7 =	sshll.u32 s28, $0x1;
	[dreg:$0x2] =	wrdreg s5  }
0xbe: {  	[dreg:$0x3] =	wrdreg s7  }
0xbf: {  	[dreg:$0x4] =	wrdreg $0xC0  }
0xc0: {  	_ =	task [dreg:s22], $0x5FFFF  }
0xc1: {  	[dreg:$0x1] =	wrdreg $0xFFFFFFFF  }
0xc2: {  	[dreg:$0x0] =	wrdreg $0x60  }
0xc3: {  	[dreg:$0x2] =	wrdreg s2  }
0xc4: {  	[dreg:$0x3] =	wrdreg s24  }
0xc5: {  	[dreg:$0x4] =	wrdreg s17  }
0xc6: {  	[dreg:$0x5] =	wrdreg $0xA  }
0xc7: {  	_ =	task.clear_ibuf [dreg:s22], $0x6FFFF;
	_ =	strace $0x90000049  }
0xc8: {  	s29 =	simm.s32 $0xA;
	_ =	strace $0x8000004B  }
0xc9: {  	_ =	swait.ge [sflag:s29], $0x1  }
0xca: {  	[sflag:s29] =	ssyncadd.s32 $0xFFFFFFFF  }
0xcb: {  	_ =	strace $0x9000004B  }
0xcc: {  	_ =	sfence  }
0xcd: {  	s30 =	sld [smem:$0x0];
	_ =	sdelay $0x2  }
0xce: {  	s31 =	sshll.u32 s1, $0xD;
	s1 =	sshrl.u32 s1, $0x2  }
0xcf: {  	s4 =	sand.u32 $0x4000, s31;
	s1 =	sadd.s32 s1, s30  }
0xd0: {  	s0 =	sor.u32 s4, s0;
	s1 =	sshll.u32 s1, $0x11  }
0xd1: {  	s0 =	sor.u32 s1, s0  }
0xd2: {  	s0 =	sadd.s32 $0x8F2B, s0  }
0xd3: {  	[sflag:s0] =	ssyncadd.remote.s32 $0x1  }
0xd4: {  	_ =	sfence.sel $0xFFFF  }
0xd5: {  	[dreg:$0x0] =	wrdreg $0xFFFFFFFF;
	(pc) =	sbr.abs _section_cstart, $3  }
0xd6: {  	[dreg:$0x1] =	wrdreg $0xFFFFFFFF  }
0xd7: {  	_ =	task.clear_ibuf [dreg:s22], $0x2FFFF;
	_ =	strace $0x9FFFFFFF  }
0xd8: {  	(tm) =	ssettm $0x7FFFFFFF  }
0xd9: {  	_ =	shalt  }
tec
execute0_lowered:
.L_overlay_start_1:
0x0: {  	(tag) =	ssettag $0x1  }
0x1: {  	s1 =	rddreg [dreg:$0x0]  }
0x2: {  	s0 =	srdreg.scid;
	s2 =	rddreg [dreg:$0x1]  }
0x3: {  	s3 =	stileid.u32;
	s4 =	rddreg [dreg:$0x2]  }
0x4: {  	s24 =	simm.s32 $0x80;
	s25 =	simm.s32 $0x100;
	s26 =	simm.s32 $0x180  }
0x5: {  	s28 =	simm.s32 $0x6200;
	s29 =	simm.s32 $0x6A00;
	s30 =	simm.s32 $0x7200  }
0x6: {  	s31 =	simm.s32 $0x7A00;
	s12 =	simm.s32 $0x8200;
	s11 =	simm.s32 $0xBA00  }
0x7: {  	s0 =	sand.u32 $0x1, s0;
	s5 =	sshll.u32 s3, $0xA;
	s3 =	simm.s32 $0x0  }
0x8: {  	s2 =	sadd.s32 $0xA00, s2;
	s6 =	sshll.u32 s0, $0x9;
	[smem:$0x7FF] =	sst s3  }
0x9: {  	s0 =	ssub.s32 $0x2, s0;
	_ =	strace $0x8000004A;
	[dreg:$0xc] =	wrdreg s24  }
0xa: {  	s5 =	sor.u32 s6, s5;
	s23 =	sshrl.u32 s0, $0x1;
	[dreg:$0xd] =	wrdreg s25  }
0xb: {  	[dreg:$0xe] =	wrdreg s26;
	s24 =	simm.s32 $0x4A00;
	s25 =	simm.s32 $0x5200  }
0xc: {  	s26 =	simm.s32 $0x5A00;
	s6 =	sshrl.u32 s5, $0x3;
	s7 =	sor.u32 $0x80, s5  }
0xd: {  	s8 =	sor.u32 $0x100, s5;
	s10 =	sor.u32 $0x180, s5;
	s5 =	sshll.u32 s5, $0x5  }
0xe: {  	s0 =	ssub.s32 s0, s23;
	s23 =	simm.s32 $0x4200;
	s6 =	sadd.s32 s2, s6  }
0xf: {  	s13 =	sshrl.u32 s7, $0x3;
	s9 =	sshrl.u32 s8, $0x3;
	s15 =	sshrl.u32 s10, $0x3  }
0x10: {  	s16 =	sadd.s32 s4, s5;
	s17 =	sshll.u32 s7, $0x5;
	s19 =	sshll.u32 s8, $0x5  }
0x11: {  	s21 =	sshll.u32 s10, $0x5;
	s5 =	simm.s32 $0x3;
	s7 =	simm.s32 $0x9A00  }
0x12: {  	s8 =	simm.s32 $0xA200;
	s10 =	simm.s32 $0xB200;
	[dreg:$0x4] =	wrdreg s6  }
0x13: {  	s6 =	sadd.s32 s2, s13;
	s14 =	sadd.s32 s2, s9;
	[dreg:$0x8] =	wrdreg s16  }
0x14: {  	s2 =	sadd.s32 s2, s15;
	s18 =	sadd.s32 s4, s17;
	[dreg:$0x5] =	wrdreg s6  }
0x15: {  	s20 =	sadd.s32 s4, s19;
	s22 =	sadd.s32 s4, s21;
	[dreg:$0x6] =	wrdreg s14  }
0x16: {  	s16 =	simm.s32 $0x1200;
	s17 =	simm.s32 $0x1A00;
	[dreg:$0x7] =	wrdreg s2  }
0x17: {  	s19 =	simm.s32 $0x2A00;
	s21 =	simm.s32 $0x3A00;
	[dreg:$0x9] =	wrdreg s18  }
0x18: {  	v2 =	vlaneseq.u32;
	s9 =	simm.s32 $0xAA00;
	s13 =	simm.s32 $0xD200;
	[dreg:$0xa] =	wrdreg s20  }
0x19: {  	vm0 =	vmmov $0xffff;
	v1 =	vshrl.u32 v2, $0x3;
	[dreg:$0xb] =	wrdreg s22;
	s2 =	smax.u32 s0, $0x1;
	s18 =	simm.s32 $0x2200  }
0x1a: {  	v0 =	vand.u32 $0x7, v2;
	v2 =	vor.u32 $0x8, v2;
	v1 =	vmul.u32 $0x8, v1;
	s20 =	simm.s32 $0x3200;
	s6 =	simm.s32 $0xC200;
	s22 =	simm.s32 $0xCA00  }
.LBB2_1:
0x1b: {  	s14 =	rddreg [dreg:$0x4]  }
0x1c: {  	[tilespmem:s3], [sflag:$0x3] =	stream.linear.gather [hbm4b:s14+s3], $0x80, $0x38;
	[tilespmem:$0x10200] =	vst v63  }
0x1d: {  	_ =	swait.ge [sflag:s5], $0x80  }
0x1e: {  	s4 =	rddreg [dreg:$0x5];
	[sflag:s5] =	ssyncset.done $0x0  }
0x1f: {  	s15 =	rddreg [dreg:$0xc];
	[sflag:s5] =	ssyncadd.s32 $0xFFFFFF80  }
0x20: {  	[tilespmem:s15], [sflag:$0x3] =	stream.linear.gather [hbm4b:s4+s3], $0x80, $0x38;
	[tilespmem:$0x10200] =	vst v63  }
0x21: {  	_ =	swait.ge [sflag:s5], $0x80  }
0x22: {  	s0 =	rddreg [dreg:$0x6];
	[sflag:s5] =	ssyncset.done $0x0  }
0x23: {  	s4 =	rddreg [dreg:$0xd];
	[sflag:s5] =	ssyncadd.s32 $0xFFFFFF80  }
0x24: {  	[tilespmem:s4], [sflag:$0x3] =	stream.linear.gather [hbm4b:s0+s3], $0x80, $0x38;
	[tilespmem:$0x10200] =	vst v63  }
0x25: {  	_ =	swait.ge [sflag:s5], $0x80  }
0x26: {  	s0 =	rddreg [dreg:$0x7];
	[sflag:s5] =	ssyncset.done $0x0  }
0x27: {  	s4 =	rddreg [dreg:$0xe];
	[sflag:s5] =	ssyncadd.s32 $0xFFFFFF80  }
0x28: {  	[tilespmem:s4], [sflag:$0x3] =	stream.linear.gather [hbm4b:s0+s3], $0x80, $0x38;
	[tilespmem:$0x10200] =	vst v63  }
0x29: {  	_ =	swait.ge [sflag:s5], $0x80  }
0x2a: {  	[sflag:s5] =	ssyncset.done $0x0  }
0x2b: {  	[sflag:s5] =	ssyncadd.s32 $0xFFFFFF80  }
0x2c: {  	v3 =	vld [tilespmem:$0x0];
	_ =	sdelay $0x4  }
0x2d: {  	v4 =	vshll.u32 v3, $0x1  }
0x2e: {  	v3 =	vand.u32 $0x7, v3;
	v4 =	vand.u32 $0xFFFFFFF0, v4  }
0x2f: {  	v3 =	vor.u32 v3, v4  }
0x30: {  	v4 =	vperm.xlane v3, v0;
	_ =	sdelay $0x1  }
0x31: {  	v3 =	vperm.xlane v3, v2;
	v4 =	vadd.s32 v1, v4;
	_ =	sdelay $0x1  }
0x32: {  	v3 =	vadd.s32 v1, v3;
	_ =	sdelay $0x1  }
0x33: {  	s0 =	simm.s32 $0x200  }
0x34: {  	[tilespmem:s0], [sflag:$0x1] =	stream.indirect_vreg.gather [hbm4b:s1+s3], $0x80, v4, vm0, $0xb8;
	[tilespmem:$0x10200] =	vst v63  }
0x35: {  	s15 =	simm.s32 $0xA00  }
0x36: {  	[tilespmem:s15], [sflag:$0x1] =	stream.indirect_vreg.gather [hbm4b:s1+s3], $0x80, v3, vm0, $0xb8;
	[tilespmem:$0x10200] =	vst v63  }
0x37: {  	v3 =	vld [tilespmem:$0x10];
	_ =	sdelay $0x4  }
0x38: {  	v33 =	vshll.u32 v3, $0x1  }
0x39: {  	v3 =	vand.u32 $0x7, v3;
	v4 =	vand.u32 $0xFFFFFFF0, v33  }
0x3a: {  	v3 =	vor.u32 v3, v4  }
0x3b: {  	v4 =	vperm.xlane v3, v0;
	_ =	sdelay $0x1  }
0x3c: {  	v3 =	vperm.xlane v3, v2;
	v4 =	vadd.s32 v1, v4;
	_ =	sdelay $0x1  }
0x3d: {  	v3 =	vadd.s32 v1, v3;
	_ =	sdelay $0x2  }
0x3e: {  	[tilespmem:s16], [sflag:$0x1] =	stream.indirect_vreg.gather [hbm4b:s1+s3], $0x80, v4, vm0, $0xb8;
	[tilespmem:$0x10200] =	vst v63  }
0x3f: {  	_ = 	snop  }
0x40: {  	[tilespmem:s17], [sflag:$0x1] =	stream.indirect_vreg.gather [hbm4b:s1+s3], $0x80, v3, vm0, $0xb8;
	[tilespmem:$0x10200] =	vst v63  }
0x41: {  	v3 =	vld [tilespmem:$0x20];
	_ =	sdelay $0x4  }
0x42: {  	v34 =	vshll.u32 v3, $0x1  }
0x43: {  	v3 =	vand.u32 $0x7, v3;
	v4 =	vand.u32 $0xFFFFFFF0, v34  }
0x44: {  	v3 =	vor.u32 v3, v4  }
0x45: {  	v4 =	vperm.xlane v3, v0;
	_ =	sdelay $0x1  }
0x46: {  	v3 =	vperm.xlane v3, v2;
	v4 =	vadd.s32 v1, v4;
	_ =	sdelay $0x1  }
0x47: {  	v3 =	vadd.s32 v1, v3;
	_ =	sdelay $0x2  }
0x48: {  	[tilespmem:s18], [sflag:$0x1] =	stream.indirect_vreg.gather [hbm4b:s1+s3], $0x80, v4, vm0, $0xb8;
	[tilespmem:$0x10200] =	vst v63  }
0x49: {  	_ = 	snop  }
0x4a: {  	[tilespmem:s19], [sflag:$0x1] =	stream.indirect_vreg.gather [hbm4b:s1+s3], $0x80, v3, vm0, $0xb8;
	[tilespmem:$0x10200] =	vst v63  }
0x4b: {  	v3 =	vld [tilespmem:$0x30];
	_ =	sdelay $0x4  }
0x4c: {  	v35 =	vshll.u32 v3, $0x1  }
0x4d: {  	v3 =	vand.u32 $0x7, v3;
	v4 =	vand.u32 $0xFFFFFFF0, v35  }
0x4e: {  	v3 =	vor.u32 v3, v4  }
0x4f: {  	v4 =	vperm.xlane v3, v0;
	_ =	sdelay $0x1  }
0x50: {  	v3 =	vperm.xlane v3, v2;
	v4 =	vadd.s32 v1, v4;
	_ =	sdelay $0x1  }
0x51: {  	v3 =	vadd.s32 v1, v3;
	_ =	sdelay $0x2  }
0x52: {  	[tilespmem:s20], [sflag:$0x1] =	stream.indirect_vreg.gather [hbm4b:s1+s3], $0x80, v4, vm0, $0xb8;
	[tilespmem:$0x10200] =	vst v63  }
0x53: {  	_ = 	snop  }
0x54: {  	[tilespmem:s21], [sflag:$0x1] =	stream.indirect_vreg.gather [hbm4b:s1+s3], $0x80, v3, vm0, $0xb8;
	[tilespmem:$0x10200] =	vst v63  }
0x55: {  	v3 =	vld [tilespmem:$0x40];
	_ =	sdelay $0x4  }
0x56: {  	v36 =	vshll.u32 v3, $0x1  }
0x57: {  	v3 =	vand.u32 $0x7, v3;
	v4 =	vand.u32 $0xFFFFFFF0, v36  }
0x58: {  	v3 =	vor.u32 v3, v4  }
0x59: {  	v4 =	vperm.xlane v3, v0;
	_ =	sdelay $0x1  }
0x5a: {  	v3 =	vperm.xlane v3, v2;
	v4 =	vadd.s32 v1, v4;
	_ =	sdelay $0x1  }
0x5b: {  	v3 =	vadd.s32 v1, v3;
	_ =	sdelay $0x2  }
0x5c: {  	[tilespmem:s23], [sflag:$0x1] =	stream.indirect_vreg.gather [hbm4b:s1+s3], $0x80, v4, vm0, $0xb8;
	[tilespmem:$0x10200] =	vst v63  }
0x5d: {  	_ = 	snop  }
0x5e: {  	[tilespmem:s24], [sflag:$0x1] =	stream.indirect_vreg.gather [hbm4b:s1+s3], $0x80, v3, vm0, $0xb8;
	[tilespmem:$0x10200] =	vst v63  }
0x5f: {  	v3 =	vld [tilespmem:$0x50];
	_ =	sdelay $0x4  }
0x60: {  	v37 =	vshll.u32 v3, $0x1  }
0x61: {  	v3 =	vand.u32 $0x7, v3;
	v4 =	vand.u32 $0xFFFFFFF0, v37  }
0x62: {  	v3 =	vor.u32 v3, v4  }
0x63: {  	v4 =	vperm.xlane v3, v0;
	_ =	sdelay $0x1  }
0x64: {  	v3 =	vperm.xlane v3, v2;
	v4 =	vadd.s32 v1, v4;
	_ =	sdelay $0x1  }
0x65: {  	v3 =	vadd.s32 v1, v3;
	_ =	sdelay $0x2  }
0x66: {  	[tilespmem:s25], [sflag:$0x1] =	stream.indirect_vreg.gather [hbm4b:s1+s3], $0x80, v4, vm0, $0xb8;
	[tilespmem:$0x10200] =	vst v63  }
0x67: {  	_ = 	snop  }
0x68: {  	[tilespmem:s26], [sflag:$0x1] =	stream.indirect_vreg.gather [hbm4b:s1+s3], $0x80, v3, vm0, $0xb8;
	[tilespmem:$0x10200] =	vst v63  }
0x69: {  	v3 =	vld [tilespmem:$0x60];
	_ =	sdelay $0x4  }
0x6a: {  	v38 =	vshll.u32 v3, $0x1  }
0x6b: {  	v3 =	vand.u32 $0x7, v3;
	v4 =	vand.u32 $0xFFFFFFF0, v38  }
0x6c: {  	v3 =	vor.u32 v3, v4  }
0x6d: {  	v4 =	vperm.xlane v3, v0;
	_ =	sdelay $0x1  }
0x6e: {  	v3 =	vperm.xlane v3, v2;
	v4 =	vadd.s32 v1, v4;
	_ =	sdelay $0x1  }
0x6f: {  	v3 =	vadd.s32 v1, v3;
	_ =	sdelay $0x2  }
0x70: {  	[tilespmem:s28], [sflag:$0x1] =	stream.indirect_vreg.gather [hbm4b:s1+s3], $0x80, v4, vm0, $0xb8;
	[tilespmem:$0x10200] =	vst v63  }
0x71: {  	_ = 	snop  }
0x72: {  	[tilespmem:s29], [sflag:$0x1] =	stream.indirect_vreg.gather [hbm4b:s1+s3], $0x80, v3, vm0, $0xb8;
	[tilespmem:$0x10200] =	vst v63  }
0x73: {  	v3 =	vld [tilespmem:$0x70];
	_ =	sdelay $0x4  }
0x74: {  	v39 =	vshll.u32 v3, $0x1  }
0x75: {  	v3 =	vand.u32 $0x7, v3;
	v4 =	vand.u32 $0xFFFFFFF0, v39  }
0x76: {  	v3 =	vor.u32 v3, v4  }
0x77: {  	v4 =	vperm.xlane v3, v0;
	_ =	sdelay $0x1  }
0x78: {  	v3 =	vperm.xlane v3, v2;
	v4 =	vadd.s32 v1, v4;
	_ =	sdelay $0x1  }
0x79: {  	v3 =	vadd.s32 v1, v3;
	_ =	sdelay $0x2  }
0x7a: {  	[tilespmem:s30], [sflag:$0x1] =	stream.indirect_vreg.gather [hbm4b:s1+s3], $0x80, v4, vm0, $0xb8;
	[tilespmem:$0x10200] =	vst v63  }
0x7b: {  	_ = 	snop  }
0x7c: {  	[tilespmem:s31], [sflag:$0x1] =	stream.indirect_vreg.gather [hbm4b:s1+s3], $0x80, v3, vm0, $0xb8;
	[tilespmem:$0x10200] =	vst v63  }
0x7d: {  	v3 =	vld [tilespmem:$0x80];
	_ =	sdelay $0x4  }
0x7e: {  	v40 =	vshll.u32 v3, $0x1  }
0x7f: {  	v3 =	vand.u32 $0x7, v3;
	v4 =	vand.u32 $0xFFFFFFF0, v40  }
0x80: {  	v3 =	vor.u32 v3, v4  }
0x81: {  	v4 =	vperm.xlane v3, v0;
	_ =	sdelay $0x1  }
0x82: {  	v3 =	vperm.xlane v3, v2;
	v4 =	vadd.s32 v1, v4;
	_ =	sdelay $0x1  }
0x83: {  	v3 =	vadd.s32 v1, v3;
	_ =	sdelay $0x2  }
0x84: {  	[tilespmem:s12], [sflag:$0x2] =	stream.indirect_vreg.gather [hbm4b:s1+s3], $0x80, v4, vm0, $0xb8;
	[tilespmem:$0x10200] =	vst v63  }
0x85: {  	s14 =	simm.s32 $0x8A00  }
0x86: {  	[tilespmem:s14], [sflag:$0x2] =	stream.indirect_vreg.gather [hbm4b:s1+s3], $0x80, v3, vm0, $0xb8;
	[tilespmem:$0x10200] =	vst v63  }
0x87: {  	v3 =	vld [tilespmem:$0x90];
	_ =	sdelay $0x4  }
0x88: {  	v41 =	vshll.u32 v3, $0x1  }
0x89: {  	v3 =	vand.u32 $0x7, v3;
	v4 =	vand.u32 $0xFFFFFFF0, v41  }
0x8a: {  	v3 =	vor.u32 v3, v4  }
0x8b: {  	v4 =	vperm.xlane v3, v0;
	_ =	sdelay $0x1  }
0x8c: {  	v3 =	vperm.xlane v3, v2;
	v4 =	vadd.s32 v1, v4;
	_ =	sdelay $0x1  }
0x8d: {  	v3 =	vadd.s32 v1, v3;
	_ =	sdelay $0x1  }
0x8e: {  	s4 =	simm.s32 $0x9200  }
0x8f: {  	[tilespmem:s4], [sflag:$0x2] =	stream.indirect_vreg.gather [hbm4b:s1+s3], $0x80, v4, vm0, $0xb8;
	[tilespmem:$0x10200] =	vst v63  }
0x90: {  	_ = 	snop  }
0x91: {  	[tilespmem:s7], [sflag:$0x2] =	stream.indirect_vreg.gather [hbm4b:s1+s3], $0x80, v3, vm0, $0xb8;
	[tilespmem:$0x10200] =	vst v63  }
0x92: {  	v3 =	vld [tilespmem:$0xA0];
	_ =	sdelay $0x4  }
0x93: {  	v42 =	vshll.u32 v3, $0x1  }
0x94: {  	v3 =	vand.u32 $0x7, v3;
	v4 =	vand.u32 $0xFFFFFFF0, v42  }
0x95: {  	v3 =	vor.u32 v3, v4  }
0x96: {  	v4 =	vperm.xlane v3, v0;
	_ =	sdelay $0x1  }
0x97: {  	v3 =	vperm.xlane v3, v2;
	v4 =	vadd.s32 v1, v4;
	_ =	sdelay $0x1  }
0x98: {  	v3 =	vadd.s32 v1, v3;
	_ =	sdelay $0x2  }
0x99: {  	[tilespmem:s8], [sflag:$0x2] =	stream.indirect_vreg.gather [hbm4b:s1+s3], $0x80, v4, vm0, $0xb8;
	[tilespmem:$0x10200] =	vst v63  }
0x9a: {  	_ = 	snop  }
0x9b: {  	[tilespmem:s9], [sflag:$0x2] =	stream.indirect_vreg.gather [hbm4b:s1+s3], $0x80, v3, vm0, $0xb8;
	[tilespmem:$0x10200] =	vst v63  }
0x9c: {  	v3 =	vld [tilespmem:$0xB0];
	_ =	sdelay $0x4  }
0x9d: {  	v43 =	vshll.u32 v3, $0x1  }
0x9e: {  	v3 =	vand.u32 $0x7, v3;
	v4 =	vand.u32 $0xFFFFFFF0, v43  }
0x9f: {  	v3 =	vor.u32 v3, v4  }
0xa0: {  	v4 =	vperm.xlane v3, v0;
	_ =	sdelay $0x1  }
0xa1: {  	v3 =	vperm.xlane v3, v2;
	v4 =	vadd.s32 v1, v4;
	_ =	sdelay $0x1  }
0xa2: {  	v3 =	vadd.s32 v1, v3;
	_ =	sdelay $0x2  }
0xa3: {  	[tilespmem:s10], [sflag:$0x2] =	stream.indirect_vreg.gather [hbm4b:s1+s3], $0x80, v4, vm0, $0xb8;
	[tilespmem:$0x10200] =	vst v63  }
0xa4: {  	_ = 	snop  }
0xa5: {  	[tilespmem:s11], [sflag:$0x2] =	stream.indirect_vreg.gather [hbm4b:s1+s3], $0x80, v3, vm0, $0xb8;
	[tilespmem:$0x10200] =	vst v63  }
0xa6: {  	v3 =	vld [tilespmem:$0xC0];
	_ =	sdelay $0x4  }
0xa7: {  	v44 =	vshll.u32 v3, $0x1  }
0xa8: {  	v3 =	vand.u32 $0x7, v3;
	v4 =	vand.u32 $0xFFFFFFF0, v44  }
0xa9: {  	v3 =	vor.u32 v3, v4  }
0xaa: {  	v4 =	vperm.xlane v3, v0;
	_ =	sdelay $0x1  }
0xab: {  	v3 =	vperm.xlane v3, v2;
	v4 =	vadd.s32 v1, v4;
	_ =	sdelay $0x1  }
0xac: {  	v3 =	vadd.s32 v1, v3;
	_ =	sdelay $0x2  }
0xad: {  	[tilespmem:s6], [sflag:$0x2] =	stream.indirect_vreg.gather [hbm4b:s1+s3], $0x80, v4, vm0, $0xb8;
	[tilespmem:$0x10200] =	vst v63  }
0xae: {  	_ = 	snop  }
0xaf: {  	[tilespmem:s22], [sflag:$0x2] =	stream.indirect_vreg.gather [hbm4b:s1+s3], $0x80, v3, vm0, $0xb8;
	[tilespmem:$0x10200] =	vst v63  }
0xb0: {  	v3 =	vld [tilespmem:$0xD0];
	_ =	sdelay $0x4  }
0xb1: {  	v45 =	vshll.u32 v3, $0x1  }
0xb2: {  	v3 =	vand.u32 $0x7, v3;
	v4 =	vand.u32 $0xFFFFFFF0, v45  }
0xb3: {  	v3 =	vor.u32 v3, v4  }
0xb4: {  	v4 =	vperm.xlane v3, v0;
	_ =	sdelay $0x1  }
0xb5: {  	v3 =	vperm.xlane v3, v2;
	v4 =	vadd.s32 v1, v4;
	_ =	sdelay $0x1  }
0xb6: {  	v3 =	vadd.s32 v1, v3;
	_ =	sdelay $0x2  }
0xb7: {  	[tilespmem:s13], [sflag:$0x2] =	stream.indirect_vreg.gather [hbm4b:s1+s3], $0x80, v4, vm0, $0xb8;
	[tilespmem:$0x10200] =	vst v63  }
0xb8: {  	s14 =	simm.s32 $0xDA00  }
0xb9: {  	[tilespmem:s14], [sflag:$0x2] =	stream.indirect_vreg.gather [hbm4b:s1+s3], $0x80, v3, vm0, $0xb8;
	[tilespmem:$0x10200] =	vst v63  }
0xba: {  	v3 =	vld [tilespmem:$0xE0];
	_ =	sdelay $0x4  }
0xbb: {  	v46 =	vshll.u32 v3, $0x1  }
0xbc: {  	v3 =	vand.u32 $0x7, v3;
	v4 =	vand.u32 $0xFFFFFFF0, v46  }
0xbd: {  	v3 =	vor.u32 v3, v4  }
0xbe: {  	v4 =	vperm.xlane v3, v0;
	_ =	sdelay $0x1  }
0xbf: {  	v3 =	vperm.xlane v3, v2;
	v4 =	vadd.s32 v1, v4;
	_ =	sdelay $0x1  }
0xc0: {  	v3 =	vadd.s32 v1, v3;
	_ =	sdelay $0x1  }
0xc1: {  	s4 =	simm.s32 $0xE200  }
0xc2: {  	[tilespmem:s4], [sflag:$0x2] =	stream.indirect_vreg.gather [hbm4b:s1+s3], $0x80, v4, vm0, $0xb8;
	[tilespmem:$0x10200] =	vst v63  }
0xc3: {  	s14 =	simm.s32 $0xEA00  }
0xc4: {  	[tilespmem:s14], [sflag:$0x2] =	stream.indirect_vreg.gather [hbm4b:s1+s3], $0x80, v3, vm0, $0xb8;
	[tilespmem:$0x10200] =	vst v63  }
0xc5: {  	v3 =	vld [tilespmem:$0xF0];
	_ =	sdelay $0x4  }
0xc6: {  	v47 =	vshll.u32 v3, $0x1  }
0xc7: {  	v3 =	vand.u32 $0x7, v3;
	v4 =	vand.u32 $0xFFFFFFF0, v47  }
0xc8: {  	v3 =	vor.u32 v3, v4  }
0xc9: {  	v4 =	vperm.xlane v3, v0;
	_ =	sdelay $0x1  }
0xca: {  	v3 =	vperm.xlane v3, v2;
	v4 =	vadd.s32 v1, v4;
	_ =	sdelay $0x1  }
0xcb: {  	v3 =	vadd.s32 v1, v3;
	_ =	sdelay $0x1  }
0xcc: {  	s4 =	simm.s32 $0xF200  }
0xcd: {  	[tilespmem:s4], [sflag:$0x2] =	stream.indirect_vreg.gather [hbm4b:s1+s3], $0x80, v4, vm0, $0xb8;
	[tilespmem:$0x10200] =	vst v63  }
0xce: {  	s0 =	simm.s32 $0x1;
	s14 =	simm.s32 $0xFA00  }
0xcf: {  	[tilespmem:s14], [sflag:$0x2] =	stream.indirect_vreg.gather [hbm4b:s1+s3], $0x80, v3, vm0, $0xb8;
	[tilespmem:$0x10200] =	vst v63  }
0xd0: {  	_ =	swait.ge [sflag:s0], $0x8000  }
0xd1: {  	[sflag:s0] =	ssyncset.done $0x0  }
0xd2: {  	s4 =	simm.s32 $0x200;
	s14 =	rddreg [dreg:$0x8];
	[sflag:s0] =	ssyncadd.s32 $0xFFFF8000  }
0xd3: {  	[hbm4b:s14+s3] =	stream.linear.scatter [tilespmem:s4], [sflag:$0x3], $0x8000, $0x38;
	[tilespmem:$0x10200] =	vst v63  }
0xd4: {  	_ =	swait.ge [sflag:s5], $0x8000  }
0xd5: {  	[sflag:s5] =	ssyncset.done $0x0  }
0xd6: {  	[sflag:s5] =	ssyncadd.s32 $0xFFFF8000  }
0xd7: {  	v3 =	vld [tilespmem:$0x100];
	_ =	sdelay $0x4  }
0xd8: {  	v48 =	vshll.u32 v3, $0x1  }
0xd9: {  	v3 =	vand.u32 $0x7, v3;
	v4 =	vand.u32 $0xFFFFFFF0, v48  }
0xda: {  	v3 =	vor.u32 v3, v4  }
0xdb: {  	v4 =	vperm.xlane v3, v0;
	_ =	sdelay $0x1  }
0xdc: {  	v3 =	vperm.xlane v3, v2;
	v4 =	vadd.s32 v1, v4;
	_ =	sdelay $0x1  }
0xdd: {  	v3 =	vadd.s32 v1, v3;
	_ =	sdelay $0x2  }
0xde: {  	[tilespmem:s4], [sflag:$0x1] =	stream.indirect_vreg.gather [hbm4b:s1+s3], $0x80, v4, vm0, $0xb8;
	[tilespmem:$0x10200] =	vst v63  }
0xdf: {  	_ = 	snop  }
0xe0: {  	[tilespmem:s15], [sflag:$0x1] =	stream.indirect_vreg.gather [hbm4b:s1+s3], $0x80, v3, vm0, $0xb8;
	[tilespmem:$0x10200] =	vst v63  }
0xe1: {  	v3 =	vld [tilespmem:$0x110];
	_ =	sdelay $0x4  }
0xe2: {  	v49 =	vshll.u32 v3, $0x1  }
0xe3: {  	v3 =	vand.u32 $0x7, v3;
	v4 =	vand.u32 $0xFFFFFFF0, v49  }
0xe4: {  	v3 =	vor.u32 v3, v4  }
0xe5: {  	v4 =	vperm.xlane v3, v0;
	_ =	sdelay $0x1  }
0xe6: {  	v3 =	vperm.xlane v3, v2;
	v4 =	vadd.s32 v1, v4;
	_ =	sdelay $0x1  }
0xe7: {  	v3 =	vadd.s32 v1, v3;
	_ =	sdelay $0x2  }
0xe8: {  	[tilespmem:s16], [sflag:$0x1] =	stream.indirect_vreg.gather [hbm4b:s1+s3], $0x80, v4, vm0, $0xb8;
	[tilespmem:$0x10200] =	vst v63  }
0xe9: {  	_ = 	snop  }
0xea: {  	[tilespmem:s17], [sflag:$0x1] =	stream.indirect_vreg.gather [hbm4b:s1+s3], $0x80, v3, vm0, $0xb8;
	[tilespmem:$0x10200] =	vst v63  }
0xeb: {  	v3 =	vld [tilespmem:$0x120];
	_ =	sdelay $0x4  }
0xec: {  	v50 =	vshll.u32 v3, $0x1  }
0xed: {  	v3 =	vand.u32 $0x7, v3;
	v4 =	vand.u32 $0xFFFFFFF0, v50  }
0xee: {  	v3 =	vor.u32 v3, v4  }
0xef: {  	v4 =	vperm.xlane v3, v0;
	_ =	sdelay $0x1  }
0xf0: {  	v3 =	vperm.xlane v3, v2;
	v4 =	vadd.s32 v1, v4;
	_ =	sdelay $0x1  }
0xf1: {  	v3 =	vadd.s32 v1, v3;
	_ =	sdelay $0x2  }
0xf2: {  	[tilespmem:s18], [sflag:$0x1] =	stream.indirect_vreg.gather [hbm4b:s1+s3], $0x80, v4, vm0, $0xb8;
	[tilespmem:$0x10200] =	vst v63  }
0xf3: {  	_ = 	snop  }
0xf4: {  	[tilespmem:s19], [sflag:$0x1] =	stream.indirect_vreg.gather [hbm4b:s1+s3], $0x80, v3, vm0, $0xb8;
	[tilespmem:$0x10200] =	vst v63  }
0xf5: {  	v3 =	vld [tilespmem:$0x130];
	_ =	sdelay $0x4  }
0xf6: {  	v51 =	vshll.u32 v3, $0x1  }
0xf7: {  	v3 =	vand.u32 $0x7, v3;
	v4 =	vand.u32 $0xFFFFFFF0, v51  }
0xf8: {  	v3 =	vor.u32 v3, v4  }
0xf9: {  	v4 =	vperm.xlane v3, v0;
	_ =	sdelay $0x1  }
0xfa: {  	v3 =	vperm.xlane v3, v2;
	v4 =	vadd.s32 v1, v4;
	_ =	sdelay $0x1  }
0xfb: {  	v3 =	vadd.s32 v1, v3;
	_ =	sdelay $0x2  }
0xfc: {  	[tilespmem:s20], [sflag:$0x1] =	stream.indirect_vreg.gather [hbm4b:s1+s3], $0x80, v4, vm0, $0xb8;
	[tilespmem:$0x10200] =	vst v63  }
0xfd: {  	_ = 	snop  }
0xfe: {  	[tilespmem:s21], [sflag:$0x1] =	stream.indirect_vreg.gather [hbm4b:s1+s3], $0x80, v3, vm0, $0xb8;
	[tilespmem:$0x10200] =	vst v63  }
0xff: {  	v3 =	vld [tilespmem:$0x140];
	_ =	sdelay $0x4  }
0x100: {  	v52 =	vshll.u32 v3, $0x1  }
0x101: {  	v3 =	vand.u32 $0x7, v3;
	v4 =	vand.u32 $0xFFFFFFF0, v52  }
0x102: {  	v3 =	vor.u32 v3, v4  }
0x103: {  	v4 =	vperm.xlane v3, v0;
	_ =	sdelay $0x1  }
0x104: {  	v3 =	vperm.xlane v3, v2;
	v4 =	vadd.s32 v1, v4;
	_ =	sdelay $0x1  }
0x105: {  	v3 =	vadd.s32 v1, v3;
	_ =	sdelay $0x2  }
0x106: {  	[tilespmem:s23], [sflag:$0x1] =	stream.indirect_vreg.gather [hbm4b:s1+s3], $0x80, v4, vm0, $0xb8;
	[tilespmem:$0x10200] =	vst v63  }
0x107: {  	_ = 	snop  }
0x108: {  	[tilespmem:s24], [sflag:$0x1] =	stream.indirect_vreg.gather [hbm4b:s1+s3], $0x80, v3, vm0, $0xb8;
	[tilespmem:$0x10200] =	vst v63  }
0x109: {  	v3 =	vld [tilespmem:$0x150];
	_ =	sdelay $0x4  }
0x10a: {  	v53 =	vshll.u32 v3, $0x1  }
0x10b: {  	v3 =	vand.u32 $0x7, v3;
	v4 =	vand.u32 $0xFFFFFFF0, v53  }
0x10c: {  	v3 =	vor.u32 v3, v4  }
0x10d: {  	v4 =	vperm.xlane v3, v0;
	_ =	sdelay $0x1  }
0x10e: {  	v3 =	vperm.xlane v3, v2;
	v4 =	vadd.s32 v1, v4;
	_ =	sdelay $0x1  }
0x10f: {  	v3 =	vadd.s32 v1, v3;
	_ =	sdelay $0x2  }
0x110: {  	[tilespmem:s25], [sflag:$0x1] =	stream.indirect_vreg.gather [hbm4b:s1+s3], $0x80, v4, vm0, $0xb8;
	[tilespmem:$0x10200] =	vst v63  }
0x111: {  	_ = 	snop  }
0x112: {  	[tilespmem:s26], [sflag:$0x1] =	stream.indirect_vreg.gather [hbm4b:s1+s3], $0x80, v3, vm0, $0xb8;
	[tilespmem:$0x10200] =	vst v63  }
0x113: {  	v3 =	vld [tilespmem:$0x160];
	_ =	sdelay $0x4  }
0x114: {  	v54 =	vshll.u32 v3, $0x1  }
0x115: {  	v3 =	vand.u32 $0x7, v3;
	v4 =	vand.u32 $0xFFFFFFF0, v54  }
0x116: {  	v3 =	vor.u32 v3, v4  }
0x117: {  	v4 =	vperm.xlane v3, v0;
	_ =	sdelay $0x1  }
0x118: {  	v3 =	vperm.xlane v3, v2;
	v4 =	vadd.s32 v1, v4;
	_ =	sdelay $0x1  }
0x119: {  	v3 =	vadd.s32 v1, v3;
	_ =	sdelay $0x2  }
0x11a: {  	[tilespmem:s28], [sflag:$0x1] =	stream.indirect_vreg.gather [hbm4b:s1+s3], $0x80, v4, vm0, $0xb8;
	[tilespmem:$0x10200] =	vst v63  }
0x11b: {  	_ = 	snop  }
0x11c: {  	[tilespmem:s29], [sflag:$0x1] =	stream.indirect_vreg.gather [hbm4b:s1+s3], $0x80, v3, vm0, $0xb8;
	[tilespmem:$0x10200] =	vst v63  }
0x11d: {  	v3 =	vld [tilespmem:$0x170];
	_ =	sdelay $0x4  }
0x11e: {  	v55 =	vshll.u32 v3, $0x1  }
0x11f: {  	v3 =	vand.u32 $0x7, v3;
	v4 =	vand.u32 $0xFFFFFFF0, v55  }
0x120: {  	v3 =	vor.u32 v3, v4  }
0x121: {  	v4 =	vperm.xlane v3, v0;
	_ =	sdelay $0x1  }
0x122: {  	v3 =	vperm.xlane v3, v2;
	v4 =	vadd.s32 v1, v4;
	_ =	sdelay $0x1  }
0x123: {  	v3 =	vadd.s32 v1, v3;
	_ =	sdelay $0x2  }
0x124: {  	[tilespmem:s30], [sflag:$0x1] =	stream.indirect_vreg.gather [hbm4b:s1+s3], $0x80, v4, vm0, $0xb8;
	[tilespmem:$0x10200] =	vst v63  }
0x125: {  	s15 =	simm.s32 $0x2  }
0x126: {  	[tilespmem:s31], [sflag:$0x1] =	stream.indirect_vreg.gather [hbm4b:s1+s3], $0x80, v3, vm0, $0xb8;
	[tilespmem:$0x10200] =	vst v63  }
0x127: {  	_ =	swait.ge [sflag:s15], $0x8000  }
0x128: {  	[sflag:s15] =	ssyncset.done $0x0  }
0x129: {  	s4 =	rddreg [dreg:$0x9];
	[sflag:s15] =	ssyncadd.s32 $0xFFFF8000  }
0x12a: {  	[hbm4b:s4+s3] =	stream.linear.scatter [tilespmem:s12], [sflag:$0x3], $0x8000, $0x38;
	[tilespmem:$0x10200] =	vst v63  }
0x12b: {  	_ =	swait.ge [sflag:s5], $0x8000  }
0x12c: {  	[sflag:s5] =	ssyncset.done $0x0  }
0x12d: {  	[sflag:s5] =	ssyncadd.s32 $0xFFFF8000  }
0x12e: {  	v3 =	vld [tilespmem:$0x180];
	_ =	sdelay $0x4  }
0x12f: {  	v56 =	vshll.u32 v3, $0x1  }
0x130: {  	v3 =	vand.u32 $0x7, v3;
	v4 =	vand.u32 $0xFFFFFFF0, v56  }
0x131: {  	v3 =	vor.u32 v3, v4  }
0x132: {  	v4 =	vperm.xlane v3, v0;
	_ =	sdelay $0x1  }
0x133: {  	v3 =	vperm.xlane v3, v2;
	v4 =	vadd.s32 v1, v4;
	_ =	sdelay $0x1  }
0x134: {  	v3 =	vadd.s32 v1, v3;
	_ =	sdelay $0x2  }
0x135: {  	[tilespmem:s12], [sflag:$0x2] =	stream.indirect_vreg.gather [hbm4b:s1+s3], $0x80, v4, vm0, $0xb8;
	[tilespmem:$0x10200] =	vst v63  }
0x136: {  	s14 =	simm.s32 $0x8A00  }
0x137: {  	[tilespmem:s14], [sflag:$0x2] =	stream.indirect_vreg.gather [hbm4b:s1+s3], $0x80, v3, vm0, $0xb8;
	[tilespmem:$0x10200] =	vst v63  }
0x138: {  	v3 =	vld [tilespmem:$0x190];
	_ =	sdelay $0x4  }
0x139: {  	v57 =	vshll.u32 v3, $0x1  }
0x13a: {  	v3 =	vand.u32 $0x7, v3;
	v4 =	vand.u32 $0xFFFFFFF0, v57  }
0x13b: {  	v3 =	vor.u32 v3, v4  }
0x13c: {  	v4 =	vperm.xlane v3, v0;
	_ =	sdelay $0x1  }
0x13d: {  	v3 =	vperm.xlane v3, v2;
	v4 =	vadd.s32 v1, v4;
	_ =	sdelay $0x1  }
0x13e: {  	v3 =	vadd.s32 v1, v3;
	_ =	sdelay $0x1  }
0x13f: {  	s14 =	simm.s32 $0x9200  }
0x140: {  	[tilespmem:s14], [sflag:$0x2] =	stream.indirect_vreg.gather [hbm4b:s1+s3], $0x80, v4, vm0, $0xb8;
	[tilespmem:$0x10200] =	vst v63  }
0x141: {  	_ = 	snop  }
0x142: {  	[tilespmem:s7], [sflag:$0x2] =	stream.indirect_vreg.gather [hbm4b:s1+s3], $0x80, v3, vm0, $0xb8;
	[tilespmem:$0x10200] =	vst v63  }
0x143: {  	v3 =	vld [tilespmem:$0x1A0];
	_ =	sdelay $0x4  }
0x144: {  	v58 =	vshll.u32 v3, $0x1  }
0x145: {  	v3 =	vand.u32 $0x7, v3;
	v4 =	vand.u32 $0xFFFFFFF0, v58  }
0x146: {  	v3 =	vor.u32 v3, v4  }
0x147: {  	v4 =	vperm.xlane v3, v0;
	_ =	sdelay $0x1  }
0x148: {  	v3 =	vperm.xlane v3, v2;
	v4 =	vadd.s32 v1, v4;
	_ =	sdelay $0x1  }
0x149: {  	v3 =	vadd.s32 v1, v3;
	_ =	sdelay $0x2  }
0x14a: {  	[tilespmem:s8], [sflag:$0x2] =	stream.indirect_vreg.gather [hbm4b:s1+s3], $0x80, v4, vm0, $0xb8;
	[tilespmem:$0x10200] =	vst v63  }
0x14b: {  	_ = 	snop  }
0x14c: {  	[tilespmem:s9], [sflag:$0x2] =	stream.indirect_vreg.gather [hbm4b:s1+s3], $0x80, v3, vm0, $0xb8;
	[tilespmem:$0x10200] =	vst v63  }
0x14d: {  	v3 =	vld [tilespmem:$0x1B0];
	_ =	sdelay $0x4  }
0x14e: {  	v59 =	vshll.u32 v3, $0x1  }
0x14f: {  	v3 =	vand.u32 $0x7, v3;
	v4 =	vand.u32 $0xFFFFFFF0, v59  }
0x150: {  	v3 =	vor.u32 v3, v4  }
0x151: {  	v4 =	vperm.xlane v3, v0;
	_ =	sdelay $0x1  }
0x152: {  	v3 =	vperm.xlane v3, v2;
	v4 =	vadd.s32 v1, v4;
	_ =	sdelay $0x1  }
0x153: {  	v3 =	vadd.s32 v1, v3;
	_ =	sdelay $0x2  }
0x154: {  	[tilespmem:s10], [sflag:$0x2] =	stream.indirect_vreg.gather [hbm4b:s1+s3], $0x80, v4, vm0, $0xb8;
	[tilespmem:$0x10200] =	vst v63  }
0x155: {  	_ = 	snop  }
0x156: {  	[tilespmem:s11], [sflag:$0x2] =	stream.indirect_vreg.gather [hbm4b:s1+s3], $0x80, v3, vm0, $0xb8;
	[tilespmem:$0x10200] =	vst v63  }
0x157: {  	v3 =	vld [tilespmem:$0x1C0];
	_ =	sdelay $0x4  }
0x158: {  	v60 =	vshll.u32 v3, $0x1  }
0x159: {  	v3 =	vand.u32 $0x7, v3;
	v4 =	vand.u32 $0xFFFFFFF0, v60  }
0x15a: {  	v3 =	vor.u32 v3, v4  }
0x15b: {  	v4 =	vperm.xlane v3, v0;
	_ =	sdelay $0x1  }
0x15c: {  	v3 =	vperm.xlane v3, v2;
	v4 =	vadd.s32 v1, v4;
	_ =	sdelay $0x1  }
0x15d: {  	v3 =	vadd.s32 v1, v3;
	_ =	sdelay $0x2  }
0x15e: {  	[tilespmem:s6], [sflag:$0x2] =	stream.indirect_vreg.gather [hbm4b:s1+s3], $0x80, v4, vm0, $0xb8;
	[tilespmem:$0x10200] =	vst v63  }
0x15f: {  	_ = 	snop  }
0x160: {  	[tilespmem:s22], [sflag:$0x2] =	stream.indirect_vreg.gather [hbm4b:s1+s3], $0x80, v3, vm0, $0xb8;
	[tilespmem:$0x10200] =	vst v63  }
0x161: {  	v3 =	vld [tilespmem:$0x1D0];
	_ =	sdelay $0x4  }
0x162: {  	v61 =	vshll.u32 v3, $0x1  }
0x163: {  	v3 =	vand.u32 $0x7, v3;
	v4 =	vand.u32 $0xFFFFFFF0, v61  }
0x164: {  	v3 =	vor.u32 v3, v4  }
0x165: {  	v4 =	vperm.xlane v3, v0;
	_ =	sdelay $0x1  }
0x166: {  	v3 =	vperm.xlane v3, v2;
	v4 =	vadd.s32 v1, v4;
	_ =	sdelay $0x1  }
0x167: {  	v3 =	vadd.s32 v1, v3;
	_ =	sdelay $0x2  }
0x168: {  	[tilespmem:s13], [sflag:$0x2] =	stream.indirect_vreg.gather [hbm4b:s1+s3], $0x80, v4, vm0, $0xb8;
	[tilespmem:$0x10200] =	vst v63  }
0x169: {  	s14 =	simm.s32 $0xDA00  }
0x16a: {  	[tilespmem:s14], [sflag:$0x2] =	stream.indirect_vreg.gather [hbm4b:s1+s3], $0x80, v3, vm0, $0xb8;
	[tilespmem:$0x10200] =	vst v63  }
0x16b: {  	v3 =	vld [tilespmem:$0x1E0];
	_ =	sdelay $0x4  }
0x16c: {  	v62 =	vshll.u32 v3, $0x1  }
0x16d: {  	v3 =	vand.u32 $0x7, v3;
	v4 =	vand.u32 $0xFFFFFFF0, v62  }
0x16e: {  	v3 =	vor.u32 v3, v4  }
0x16f: {  	v4 =	vperm.xlane v3, v0;
	_ =	sdelay $0x1  }
0x170: {  	v3 =	vperm.xlane v3, v2;
	v4 =	vadd.s32 v1, v4;
	_ =	sdelay $0x1  }
0x171: {  	v3 =	vadd.s32 v1, v3;
	_ =	sdelay $0x1  }
0x172: {  	s14 =	simm.s32 $0xE200  }
0x173: {  	[tilespmem:s14], [sflag:$0x2] =	stream.indirect_vreg.gather [hbm4b:s1+s3], $0x80, v4, vm0, $0xb8;
	[tilespmem:$0x10200] =	vst v63  }
0x174: {  	s14 =	simm.s32 $0xEA00  }
0x175: {  	[tilespmem:s14], [sflag:$0x2] =	stream.indirect_vreg.gather [hbm4b:s1+s3], $0x80, v3, vm0, $0xb8;
	[tilespmem:$0x10200] =	vst v63  }
0x176: {  	v3 =	vld [tilespmem:$0x1F0];
	_ =	sdelay $0x4  }
0x177: {  	v63 =	vshll.u32 v3, $0x1  }
0x178: {  	v3 =	vand.u32 $0x7, v3;
	v4 =	vand.u32 $0xFFFFFFF0, v63  }
0x179: {  	v3 =	vor.u32 v3, v4  }
0x17a: {  	v4 =	vperm.xlane v3, v0;
	_ =	sdelay $0x1  }
0x17b: {  	v3 =	vperm.xlane v3, v2;
	v4 =	vadd.s32 v1, v4;
	_ =	sdelay $0x1  }
0x17c: {  	v3 =	vadd.s32 v1, v3;
	_ =	sdelay $0x1  }
0x17d: {  	s14 =	simm.s32 $0xF200  }
0x17e: {  	[tilespmem:s14], [sflag:$0x2] =	stream.indirect_vreg.gather [hbm4b:s1+s3], $0x80, v4, vm0, $0xb8;
	[tilespmem:$0x10200] =	vst v63  }
0x17f: {  	s14 =	simm.s32 $0xFA00  }
0x180: {  	[tilespmem:s14], [sflag:$0x2] =	stream.indirect_vreg.gather [hbm4b:s1+s3], $0x80, v3, vm0, $0xb8;
	[tilespmem:$0x10200] =	vst v63  }
0x181: {  	_ =	swait.ge [sflag:s0], $0x8000  }
0x182: {  	[sflag:s0] =	ssyncset.done $0x0  }
0x183: {  	s4 =	simm.s32 $0x200;
	s14 =	rddreg [dreg:$0xa];
	[sflag:s0] =	ssyncadd.s32 $0xFFFF8000  }
0x184: {  	[hbm4b:s14+s3] =	stream.linear.scatter [tilespmem:s4], [sflag:$0x3], $0x8000, $0x38;
	[tilespmem:$0x10200] =	vst v63  }
0x185: {  	_ =	swait.ge [sflag:s5], $0x8000  }
0x186: {  	[sflag:s5] =	ssyncset.done $0x0  }
0x187: {  	[sflag:s5] =	ssyncadd.s32 $0xFFFF8000  }
0x188: {  	_ =	swait.ge [sflag:s15], $0x8000  }
0x189: {  	p0 =	sne.s32 s2, $0x1;
	[sflag:s15] =	ssyncset.done $0x0  }
.Ltmp0:
0x18a: {  	s4 =	rddreg [dreg:$0xb];
	[sflag:s15] =	ssyncadd.s32 $0xFFFF8000;
	(pc) =	sbr.rel @p0 .LBB2_1-.Ltmp0, $4  }
0x18b: {  	[hbm4b:s4+s3] =	stream.linear.scatter [tilespmem:s12], [sflag:$0x3], $0x8000, $0x38;
	[tilespmem:$0x10200] =	vst v63  }
0x18c: {  	_ =	swait.ge [sflag:s5], $0x8000  }
0x18d: {  	[sflag:s5] =	ssyncset.done $0x0  }
0x18e: {  	s2 =	sadd.s32 $0xFFFFFFFF, s2;
	[sflag:s5] =	ssyncadd.s32 $0xFFFF8000  }
0x18f: {  	_ =	sfence.sel $0x180000  }
0x190: {  	[bflag:$0x0] =	sbarrier.arrive $0xFFFF  }
0x191: {  	_ =	strace $0x9000004A  }
0x192: {  	s0 =	stileid.u32;
	[bflag:$0x2] =	sbarrier.arrive $0xFFFF  }
0x193: {  	p0 =	sne.s32 s0, $0x0;
	s0 =	rddreg [dreg:$0x3]  }
0x194: {  	s0 =	sadd.s32 @!p0 $0x100000, s0  }
0x195: {  	[sflag:s0] =	ssyncadd.tile.s32 @!p0 $0x1;
	_ =	shalt  }
.Lfunc_end2:
_tile_overlayer_lowered:
.L_overlay_start_2:
0x196: {  	(tag) =	ssettag $0x2  }
0x197: {  	s0 =	rddreg [dreg:$0x0];
	s2 =	stileid.u32  }
0x198: {  	s1 =	rddreg [dreg:$0x1];
	p0 =	sne.s32 s2, $0x0  }
0x199: {  	s3 =	rddreg [dreg:$0x2];
	[bflag:$0x3] =	sbarrier.arrive $0xFFFF;
	s2 =	simm.s32 @!p0 $0x1C03  }
0x19a: {  	[timem:s3], [sflag:s2] =	dma.local @!p0 [hbm:s0], s1  }
0x19b: {  	s0 =	simm.s32 @!p0 $0x3  }
0x19c: {  	_ =	swait.ge @!p0 [sflag:s0], s1  }
0x19d: {  	s1 =	ssub.s32 @!p0 $0x0, s1;
	[sflag:s0] =	ssyncset.done @!p0 $0x0  }
0x19e: {  	[sflag:s0] =	ssyncadd.s32 @!p0 s1  }
0x19f: {  	[bflag:$0x3] =	sbarrier.arrive $0xFFFF  }
0x1a0: {  	_ =	shalt  }

// kernel: scatter_offload_async_start
scs
__scs_entry_jumppad:
0x0: {  	(pc) =	sbr.rel $0x88, $3  }
0x1: {  	(tag) =	ssettag $0x0;
	lr =	simm.s32 $0x1  }
0x2: {  	[smem:$0x3F9F] =	sst lr;
	_ =	strace $0xD0000000  }
0x3: {  	_ = 	snop  }
0x4: {  	_ = 	snop  }
0x5: {  	_ = 	snop  }
0x6: {  	_ = 	snop  }
0x7: {  	_ = 	snop  }
__scs_overlays_trampoline_lowered:
0x8: {  	[smem:$0x3FAE] =	sst s0  }
0x9: {  	[smem:$0x3FAF] =	sst s1  }
0xa: {  	[smem:$0x3FB0] =	sst s2  }
0xb: {  	[smem:$0x3FB1] =	sst s3  }
0xc: {  	[smem:$0x3FB2] =	sst s4  }
0xd: {  	[smem:$0x3FB3] =	sst s5  }
0xe: {  	[smem:$0x3FB4] =	sst s6  }
0xf: {  	[smem:$0x3FB5] =	sst s7  }
0x10: {  	[smem:$0x3FB6] =	sst s8  }
0x11: {  	[smem:$0x3FB7] =	sst s9;
	s0 =	simm.s32 @!p0 $0x0  }
0x12: {  	s1 =	sld [smem:$0x3F9D];
	s0 =	simm.s32 @p0 $0x1  }
0x13: {  	[smem:$0x3FB8] =	sst s0;
	s0 =	simm.s32 @!p1 $0x0  }
0x14: {  	s2 =	sld [smem:$0x3F9C];
	s0 =	simm.s32 @p1 $0x1  }
0x15: {  	[smem:$0x3FB9] =	sst s0;
	s0 =	simm.s32 @!p2 $0x0  }
0x16: {  	s3 =	sld [smem:$0x3FDB];
	s0 =	simm.s32 @p2 $0x1  }
0x17: {  	s4 =	simm.s32 $0x1BF5;
	[smem:$0x3FBB] =	sst s0  }
0x18: {  	s0 =	sld [smem:$0x3F9E];
	_ =	swait.ge [sflag:s4], $0x0  }
0x19: {  	s7 =	sld [smem:$0x3F9F]  }
0x1a: {  	s8 =	sadd.s32 $0xFFFFE003, lr  }
0x1b: {  	s9 =	sadd.s32 $0xFFFFFEF7, lr;
	s5 =	simm.s32 $0xFFFFFFFF;
	p2 =	slt.u32 s8, $0xFFFFF086  }
0x1c: {  	p1 =	slt.u32 s9, $0xF7A;
	s5 =	simm.s32 @!p2 $0x0  }
0x1d: {  	s5 =	simm.s32 @p1 $0x1;
	p0 =	seq.s32 s7, s2  }
0x1e: {  	s7 =	smul.u32 @!p0 $0xF7A, s2;
	p2 =	seq.s32 @!p0 s5, $0x0  }
0x1f: {  	s9 =	smul.u32 $0xF7A, s1;
	s8 =	simm.s32 @!p0 $0x1BF5;
	p2 =	por !p2, p0  }
0x20: {  	[sflag:s8] =	ssyncset.s32 @!p0 $0xFFFFF086;
	s6 =	sadd.s32 @!p0 s3, s7;
	s7 =	simm.s32 @!p0 $0x108  }
0x21: {  	s3 =	sadd.s32 s3, s9;
	s6 =	sadd.s32 @!p0 $0x88, s6;
	s7 =	simm.s32 @p2 $0x1082  }
0x22: {  	[simem:s7], [sflag:s8] =	dma.local @!p0 [hbm:s6], $0xF7A  }
0x23: {  	s9 =	sor.u32 $0xD0000000, s2;
	s6 =	simm.s32 $0x108;
	_ =	swait.ge @!p0 [sflag:s8], $0x0  }
0x24: {  	s3 =	sadd.s32 $0x88, s3;
	s6 =	simm.s32 @!p1 $0x1082;
	[sflag:s4] =	ssyncset.s32 $0xFFFFF086  }
0x25: {  	[simem:s6], [sflag:s4] =	dma.local [hbm:s3], $0xF7A  }
0x26: {  	[smem:$0x3F9F] =	sst s1;
	(tag) =	ssettag s2;
	_ =	strace s9  }
0x27: {  	s1 =	sld [smem:$0x3FAF]  }
0x28: {  	s2 =	sld [smem:$0x3FB0]  }
0x29: {  	s4 =	sld [smem:$0x3FB2]  }
0x2a: {  	p0 =	seq.s32 s5, $0x0;
	s5 =	sld [smem:$0x3FB3]  }
0x2b: {  	s6 =	sld [smem:$0x3FB4]  }
0x2c: {  	s7 =	sld [smem:$0x3FB5]  }
0x2d: {  	s3 =	simm.s32 $0x108;
	s8 =	sld [smem:$0x3FB6]  }
0x2e: {  	s3 =	simm.s32 @!p0 $0x1082;
	s9 =	sld [smem:$0x3FB7]  }
0x2f: {  	lr =	sadd.s32 s0, s3;
	s0 =	sld [smem:$0x3FAE]  }
0x30: {  	s3 =	sld [smem:$0x3FB1]  }
0x31: {  	[smem:$0x3FBA] =	sst s10  }
0x32: {  	s10 =	sld [smem:$0x3FB8];
	_ =	sdelay $0x3  }
0x33: {  	p0 =	seq.s32 s10, $0x1;
	s10 =	sld [smem:$0x3FBA];
	_ =	sdelay $0x3  }
0x34: {  	[smem:$0x3FBA] =	sst s10  }
0x35: {  	s10 =	sld [smem:$0x3FB9];
	_ =	sdelay $0x3  }
0x36: {  	p1 =	seq.s32 s10, $0x1;
	s10 =	sld [smem:$0x3FBA];
	_ =	sdelay $0x3  }
0x37: {  	[smem:$0x3FBA] =	sst s10  }
0x38: {  	s10 =	sld [smem:$0x3FBB]  }
0x39: {  	_ = 	snop;
	(pc) =	sbr.ind lr, $3  }
0x3a: {  	_ = 	snop  }
0x3b: {  	_ = 	snop  }
0x3c: {  	p2 =	seq.s32 s10, $0x1;
	s10 =	sld [smem:$0x3FBA]  }
0x3d: {  	_ =	shalt  }
0x3e: {  	_ =	shalt  }
0x3f: {  	_ =	shalt  }
0x40: {  	_ =	shalt  }
0x41: {  	_ =	shalt  }
0x42: {  	_ =	shalt  }
0x43: {  	_ =	shalt  }
0x44: {  	_ =	shalt  }
0x45: {  	_ =	shalt  }
0x46: {  	_ =	shalt  }
0x47: {  	_ =	shalt  }
0x48: {  	_ =	shalt  }
0x49: {  	_ =	shalt  }
0x4a: {  	_ =	shalt  }
0x4b: {  	_ =	shalt  }
0x4c: {  	_ =	shalt  }
0x4d: {  	_ =	shalt  }
0x4e: {  	_ =	shalt  }
0x4f: {  	_ =	shalt  }
0x50: {  	_ =	shalt  }
0x51: {  	_ =	shalt  }
0x52: {  	_ =	shalt  }
0x53: {  	_ =	shalt  }
0x54: {  	_ =	shalt  }
0x55: {  	_ =	shalt  }
0x56: {  	_ =	shalt  }
0x57: {  	_ =	shalt  }
0x58: {  	_ =	shalt  }
0x59: {  	_ =	shalt  }
0x5a: {  	_ =	shalt  }
0x5b: {  	_ =	shalt  }
0x5c: {  	_ =	shalt  }
0x5d: {  	_ =	shalt  }
0x5e: {  	_ =	shalt  }
0x5f: {  	_ =	shalt  }
0x60: {  	_ =	shalt  }
0x61: {  	_ =	shalt  }
0x62: {  	_ =	shalt  }
0x63: {  	_ =	shalt  }
0x64: {  	_ =	shalt  }
0x65: {  	_ =	shalt  }
0x66: {  	_ =	shalt  }
0x67: {  	_ =	shalt  }
0x68: {  	_ =	shalt  }
0x69: {  	_ =	shalt  }
0x6a: {  	_ =	shalt  }
0x6b: {  	_ =	shalt  }
0x6c: {  	_ =	shalt  }
0x6d: {  	_ =	shalt  }
0x6e: {  	_ =	shalt  }
0x6f: {  	_ =	shalt  }
0x70: {  	_ =	shalt  }
0x71: {  	_ =	shalt  }
0x72: {  	_ =	shalt  }
0x73: {  	_ =	shalt  }
0x74: {  	_ =	shalt  }
0x75: {  	_ =	shalt  }
0x76: {  	_ =	shalt  }
0x77: {  	_ =	shalt  }
0x78: {  	_ =	shalt  }
0x79: {  	_ =	shalt  }
0x7a: {  	_ =	shalt  }
0x7b: {  	_ =	shalt  }
0x7c: {  	_ =	shalt  }
0x7d: {  	_ =	shalt  }
0x7e: {  	_ =	shalt  }
0x7f: {  	_ =	shalt  }
0x80: {  	_ =	shalt  }
0x81: {  	_ =	shalt  }
0x82: {  	_ =	shalt  }
0x83: {  	_ =	shalt  }
0x84: {  	_ =	shalt  }
0x85: {  	_ =	shalt  }
0x86: {  	_ =	shalt  }
0x87: {  	_ =	shalt  }
.Lfunc_end0:
.L_simem_size_0:
called_computation_lowered:
.L_overlay_start_0:
0x88: {  	s0 =	sld [smem:$0x3FD9]  }
0x89: {  	s1 =	sld [smem:$0x3FFE];
	_ =	sdelay $0x3  }
0x8a: {  	s0 =	sadd.s32 s1, s0  }
0x8b: {  	[smem:$0x3FC6] =	sst s0  }
0x8c: {  	_ = 	snop  }
0x8d: {  	s0 =	sld [smem:$0x3FD0];
	_ =	sdelay $0x2  }
0x8e: {  	s13 =	simm.s32 $0xB;
	s2 =	simm.s32 $0x10  }
0x8f: {  	[smem:s2], [sflag:s13] =	dma.local [hbm:s0], $0x1  }
0x90: {  	_ =	swait.eq [sflag:s13], $0x1  }
0x91: {  	[sflag:s13] =	ssyncset.done $0x0  }
0x92: {  	[sflag:s13] =	ssyncadd.s32 $0xFFFFFFFF  }
0x93: {  	s14 =	sld [smem:$0x14];
	(tm) =	ssettm $0x1  }
0x94: {  	s15 =	sld [smem:$0x3FFB];
	_ =	sdelay $0x3  }
0x95: {  	_ =	strace s15  }
0x96: {  	s1 =	sld [smem:$0x3FFC];
	_ =	sdelay $0x3  }
0x97: {  	_ =	strace s1  }
0x98: {  	s1 =	sld [smem:$0x3FFD];
	_ =	sdelay $0x3  }
0x99: {  	_ =	strace s1  }
0x9a: {  	_ =	strace $0x8FFFFFFF  }
0x9b: {  	s16 =	sld [smem:$0x3FDB];
	_ =	sdelay $0x1  }
0x9c: {  	s17 =	simm.s32 $_scs_section_size  }
0x9d: {  	s3 =	simm.s32 $_size__tile_overlayer_lowered;
	s4 =	simm.s32 $_tile_overlayer_lowered  }
0x9e: {  	s20 =	simm.s32 $0x1BFF;
	s19 =	sshll.u32 s4, $0x1;
	s1 =	sadd.s32 s17, s16  }
0x9f: {  	s5 =	simm.s32 $0x0;
	s18 =	sshll.u32 s3, $0x1;
	s3 =	sadd.s32 s19, s1  }
0xa0: {  	[timem:s5], [sflag:s20] =	dma.local [hbm:s3], s18  }
0xa1: {  	_ =	swait.ge [sflag:s20], s18  }
0xa2: {  	s2 =	ssub.s32 $0x0, s18;
	[sflag:s20] =	ssyncset.done $0x0  }
0xa3: {  	[sflag:s20] =	ssyncadd.s32 s2;
	_ =	sdelay $0x1  }
0xa4: {  	s21 =	simm.s32 $0x1B8B  }
0xa5: {  	_ =	swait.ge [sflag:s21], $0x1  }
0xa6: {  	[sflag:s21] =	ssyncset.done $0x0  }
0xa7: {  	s23 =	simm.s32 $0x1B8E;
	s22 =	sld [smem:$0x3FFE];
	[sflag:s21] =	ssyncadd.s32 $0xFFFFFFFF  }
0xa8: {  	s24 =	simm.s32 $execute0_lowered;
	[smem:$0x3FD2] =	sst s23  }
0xa9: {  	s3 =	sshll.u32 s24, $0x1;
	_ =	strace $0x80000046;
	[dreg:$0x1] =	wrdreg $0xFFFFFFFF  }
0xaa: {  	s25 =	simm.s32 $_size_execute0_lowered;
	s1 =	sadd.s32 s1, s3;
	[dreg:$0x0] =	wrdreg $0x0  }
0xab: {  	s3 =	sshll.u32 s25, $0x1;
	[dreg:$0x2] =	wrdreg s1  }
0xac: {  	[dreg:$0x3] =	wrdreg s3  }
0xad: {  	[dreg:$0x4] =	wrdreg $0xC0  }
0xae: {  	_ =	task [dreg:s5], $0x5FFFF  }
0xaf: {  	[dreg:$0x1] =	wrdreg $0xFFFFFFFF  }
0xb0: {  	[dreg:$0x0] =	wrdreg $0x60  }
0xb1: {  	[dreg:$0x2] =	wrdreg s14  }
0xb2: {  	[dreg:$0x3] =	wrdreg s22  }
0xb3: {  	[dreg:$0x4] =	wrdreg $0x9  }
0xb4: {  	_ =	task.clear_ibuf [dreg:s5], $0x5FFFF;
	_ =	strace $0x90000046  }
0xb5: {  	s26 =	simm.s32 $0x9;
	_ =	strace $0x80000048  }
0xb6: {  	_ =	swait.ge [sflag:s26], $0x1  }
0xb7: {  	[sflag:s26] =	ssyncadd.s32 $0xFFFFFFFF  }
0xb8: {  	_ =	strace $0x90000048  }
0xb9: {  	_ =	sfence  }
0xba: {  	s28 =	sld [smem:$0x0];
	_ =	sdelay $0x1  }
0xbb: {  	s29 =	srdreg.scid  }
0xbc: {  	s30 =	sshll.u32 s29, $0xD;
	s31 =	sshrl.u32 s29, $0x2  }
0xbd: {  	s2 =	sand.u32 $0x4000, s30;
	s1 =	sand.u32 $0x1, s29;
	s0 =	sadd.s32 s31, s28  }
0xbe: {  	s1 =	sor.u32 s2, s1;
	s0 =	sshll.u32 s0, $0x11  }
0xbf: {  	s0 =	sor.u32 s0, s1  }
0xc0: {  	s0 =	sadd.s32 $0x8F2B, s0  }
0xc1: {  	[sflag:s0] =	ssyncadd.remote.s32 $0x1  }
0xc2: {  	_ =	sfence.sel $0xFFFF  }
0xc3: {  	[dreg:$0x0] =	wrdreg $0xFFFFFFFF;
	(pc) =	sbr.abs _section_cstart, $3  }
0xc4: {  	[dreg:$0x1] =	wrdreg $0xFFFFFFFF  }
0xc5: {  	_ =	task.clear_ibuf [dreg:s5], $0x2FFFF;
	_ =	strace $0x9FFFFFFF  }
0xc6: {  	(tm) =	ssettm $0x7FFFFFFF  }
0xc7: {  	_ =	shalt  }
tec
execute0_lowered:
.L_overlay_start_1:
0x0: {  	(tag) =	ssettag $0x1  }
0x1: {  	s1 =	rddreg [dreg:$0x0]  }
0x2: {  	s2 =	rddreg [dreg:$0x1]  }
0x3: {  	s0 =	rddreg [dreg:$0x2];
	s3 =	stileid.u32  }
0x4: {  	_ =	strace $0x80000047;
	s4 =	simm.s32 $0x3E;
	p0 =	sne.s32 s3, $0x0  }
0x5: {  	[sflag:s4] =	ssyncpa.u1 $0x0;
	s5 =	simm.s32 @!p0 $0x1C3E;
	s6 =	simm.s32 @!p0 $0x0  }
0x6: {  	[spmem:s6], [sflag:s5] =	dma.local @!p0 [hbm:s1], $0x400  }
0x7: {  	s5 =	simm.s32 @!p0 $0x3E  }
0x8: {  	_ =	swait.ge @!p0 [sflag:s5], $0x400  }
0x9: {  	[sflag:s5] =	ssyncset.done @!p0 $0x0  }
0xa: {  	s26 =	simm.s32 $0x1;
	[sflag:s5] =	ssyncadd.s32 @!p0 $0xFFFFFC00  }
0xb: {  	s29 =	simm.s32 $0x2;
	s7 =	simm.s32 $0x600;
	[bflag:$0x0] =	sbarrier.arrive $0xFFFF  }
0xc: {  	s28 =	sadd.s32 $0x1200, s2;
	s30 =	sadd.s32 $0x1A00, s2;
	[sflag:s4] =	ssyncpa.u1 $0x1  }
0xd: {  	s3 =	sshll.u32 s3, $0x7;
	s2 =	simm.s32 $0x0;
	[sflag:s26] =	ssyncpa.u1 $0x0  }
0xe: {  	s4 =	sadd.s32 s28, s3;
	(ifvalue) =	ssetifvalue $0x2000;
	[sflag:s29] =	ssyncpa.u1 $0x0  }
0xf: {  	[tilespmem:s7], [sflag:$0x2] =	stream.linear.gather [hbm4b:s4+s2], $0x400, $0x38;
	[tilespmem:$0x1200] =	vst v63  }
0x10: {  	s31 =	sadd.s32 s30, s3;
	s3 =	simm.s32 $0xE00  }
0x11: {  	[tilespmem:s3], [sflag:$0x2] =	stream.linear.gather [hbm4b:s31+s2], $0x400, $0x38;
	[tilespmem:$0x1200] =	vst v63  }
0x12: {  	_ =	swait.ge [sflag:s29], $0x800  }
0x13: {  	[sflag:s29] =	ssyncset.done $0x0  }
0x14: {  	[sflag:s29] =	ssyncadd.s32 $0xFFFFF800  }
0x15: {  	v0 =	vld.msk [tilespmem:s7+$0x0 ss:$0x1], $0xffff;
	_ =	sdelay $0x4  }
0x16: {  	v0 =	vmin.u32 v0, $0x2000;
	_ =	sdelay $0x3  }
0x17: {  	vm0 =	vmmov $0xffff;
	s5 =	simm.s32 $0x610;
	s4 =	simm.s32 $0x0  }
0x18: {  	[spmem:s2] =	stream.indirect_vreg.scatter.add.s32 [tilespmem:s3], [sflag:$0x1], $0x1, v0, vm0, $0x4038;
	[tilespmem:$0x1200] =	vst v63  }
.LBB2_1:
0x19: {  	v0 =	vld.msk [tilespmem:s5+$0x0 ss:$0x1], $0xffff;
	s4 =	sadd.s32 $0x10, s4  }
0x1a: {  	p1 =	slt.u32 s4, $0x3F0;
	_ =	sdelay $0x4  }
0x1b: {  	v0 =	vmin.u32 v0, $0x2000  }
.Ltmp0:
0x1c: {  	(pc) =	sbr.rel @p1 .LBB2_1-.Ltmp0, $3  }
0x1d: {  	_ =	sdelay $0x1  }
0x1e: {  	s5 =	sadd.s32 $0x10, s5;
	s3 =	sadd.s32 $0x10, s3  }
0x1f: {  	[spmem:s2] =	stream.indirect_vreg.scatter.add.s32 [tilespmem:s3], [sflag:$0x1], $0x1, v0, vm0, $0x4038;
	[tilespmem:$0x1200] =	vst v63  }
0x20: {  	s2 =	simm.s32 $0x1  }
0x21: {  	_ =	swait.ge [sflag:s2], $0x400  }
0x22: {  	[sflag:s2] =	ssyncset.done $0x0  }
0x23: {  	[sflag:s2] =	ssyncadd.s32 $0xFFFFFC00  }
0x24: {  	_ =	sfence.sel $0x180000  }
0x25: {  	s3 =	simm.s32 $0x2;
	[bflag:$0x0] =	sbarrier.arrive $0xFFFF  }
0x26: {  	[sflag:s3] =	ssyncpa.u1 $0x1  }
0x27: {  	[sflag:s2] =	ssyncpa.u1 $0x1  }
0x28: {  	_ =	sfence.stream.spmem  }
0x29: {  	s31 =	simm.s32 $0x3D;
	[bflag:$0x0] =	sbarrier.arrive $0xFFFF  }
0x2a: {  	s2 =	simm.s32 @p0 $0x3D;
	[sflag:s31] =	ssyncpa.u1 $0x0  }
0x2b: {  	[sflag:s2] =	ssyncpa.u1 @p0 $0x1  }
0x2c: {  	[bflag:$0x0] =	sbarrier.arrive @p0 $0xFFFF  }
0x2d: {  	_ =	strace @p0 $0x90000047  }
0x2e: {  	s3 =	simm.s32 @!p0 $0x1C3D;
	s2 =	simm.s32 @!p0 $0x0;
	[bflag:$0x2] =	sbarrier.arrive @p0 $0xFFFF  }
0x2f: {  	[hbm:s1], [sflag:s3] =	dma.local @!p0 [spmem:s2], $0x400  }
0x30: {  	s1 =	simm.s32 @!p0 $0x3D  }
0x31: {  	_ =	swait.ge @!p0 [sflag:s1], $0x400  }
0x32: {  	[sflag:s1] =	ssyncset.done @!p0 $0x0  }
0x33: {  	[sflag:s1] =	ssyncadd.s32 @!p0 $0xFFFFFC00  }
0x34: {  	[sflag:s1] =	ssyncpa.u1 @!p0 $0x1  }
0x35: {  	[bflag:$0x0] =	sbarrier.arrive @!p0 $0xFFFF  }
0x36: {  	_ =	strace @!p0 $0x90000047  }
0x37: {  	s0 =	sadd.s32 @!p0 $0x100000, s0;
	[bflag:$0x2] =	sbarrier.arrive @!p0 $0xFFFF  }
0x38: {  	[sflag:s0] =	ssyncadd.tile.s32 @!p0 $0x1;
	_ =	shalt  }
.Lfunc_end2:
_tile_overlayer_lowered:
.L_overlay_start_2:
0x39: {  	(tag) =	ssettag $0x2  }
0x3a: {  	s0 =	rddreg [dreg:$0x0];
	s2 =	stileid.u32  }
0x3b: {  	s1 =	rddreg [dreg:$0x1];
	p0 =	sne.s32 s2, $0x0  }
0x3c: {  	s3 =	rddreg [dreg:$0x2];
	[bflag:$0x3] =	sbarrier.arrive $0xFFFF;
	s2 =	simm.s32 @!p0 $0x1C01  }
0x3d: {  	[timem:s3], [sflag:s2] =	dma.local @!p0 [hbm:s0], s1  }
0x3e: {  	s0 =	simm.s32 @!p0 $0x1  }
0x3f: {  	_ =	swait.ge @!p0 [sflag:s0], s1  }
0x40: {  	s1 =	ssub.s32 @!p0 $0x0, s1;
	[sflag:s0] =	ssyncset.done @!p0 $0x0  }
0x41: {  	[sflag:s0] =	ssyncadd.s32 @!p0 s1  }
0x42: {  	[bflag:$0x3] =	sbarrier.arrive $0xFFFF  }
0x43: {  	_ =	shalt  }

</sc_bundles>
